<compile_context>
chip_gen: v7x
topology: tpu7x:2x2x1
jax: 0.10.2.dev20260603
libtpu: 0.0.44.dev20260713+nightly
codegen_flags: <defaults>
</compile_context>

<pallas_src>
import functools

import jax
import jax.numpy as jnp
from jax import lax
from jax.experimental import pallas as pl
from jax.experimental.pallas import tpu as pltpu
from jax.experimental.pallas import tpu_sc as plsc

EMB = 300
EMB_PAD = 384
CHUNK = 128
NBUF = 2
PAD_BLOCK = 2048


def _pad_table(table):
    v = table.shape[0]
    grid = (v + PAD_BLOCK - 1) // PAD_BLOCK

    def body(t_ref, o_ref):
        o_ref[...] = jnp.concatenate(
            [t_ref[...], jnp.zeros((PAD_BLOCK, EMB_PAD - EMB), jnp.float32)],
            axis=1,
        )

    return pl.pallas_call(
        body,
        grid=(grid,),
        in_specs=[pl.BlockSpec((PAD_BLOCK, EMB), lambda i: (i, 0))],
        out_specs=pl.BlockSpec((PAD_BLOCK, EMB_PAD), lambda i: (i, 0)),
        out_shape=jax.ShapeDtypeStruct((v, EMB_PAD), jnp.float32),
    )(table)


def _emb_kernel(n_rows):
    info = plsc.get_sparse_core_info()
    nc, ns = info.num_cores, info.num_subcores
    nw = nc * ns
    assert n_rows % (nw * CHUNK) == 0
    t_per_w = n_rows // (nw * CHUNK)
    assert t_per_w % NBUF == 0

    mesh = plsc.VectorSubcoreMesh(core_axis_name="c", subcore_axis_name="s")

    @functools.partial(
        pl.kernel,
        mesh=mesh,
        compiler_params=pltpu.CompilerParams(use_tc_tiling_on_sc=True),
        out_type=jax.ShapeDtypeStruct((n_rows, EMB_PAD), jnp.float32),
        scratch_types=[
            pltpu.VMEM((NBUF, CHUNK), jnp.int32),
            pltpu.VMEM((NBUF, CHUNK, EMB_PAD), jnp.float32),
            pltpu.SemaphoreType.DMA,
            pltpu.SemaphoreType.DMA,
        ],
    )
    def k(tok_hbm, table_hbm, out_hbm, idx_v, rows_v, sem0, sem1):
        sems = (sem0, sem1)
        wid = lax.axis_index("s") * nc + lax.axis_index("c")
        base = wid * t_per_w

        def prime(chunk_id, b):
            pltpu.sync_copy(tok_hbm.at[chunk_id], idx_v.at[b])
            pltpu.async_copy(table_hbm.at[idx_v.at[b]], rows_v.at[b], sems[b])

        def drain(chunk_id, b):
            pltpu.make_async_copy(
                table_hbm.at[idx_v.at[b]], rows_v.at[b], sems[b]
            ).wait()
            pltpu.sync_copy(
                rows_v.at[b], out_hbm.at[pl.ds(chunk_id * CHUNK, CHUNK)]
            )

        for b in range(NBUF):
            prime(base + b, b)

        def body(j, carry):
            for b in range(NBUF):
                i = base + NBUF * j + b
                drain(i, b)
                prime(i + NBUF, b)
            return carry

        lax.fori_loop(0, t_per_w // NBUF - 1, body, 0, unroll=False)

        for b in range(NBUF):
            drain(base + t_per_w - NBUF + b, b)

    return k


def kernel(tokens, table):
    b, l = tokens.shape
    n_rows = b * l
    tok_flat = tokens.astype(jnp.int32).reshape(n_rows // CHUNK, CHUNK)
    table_pad = _pad_table(table)
    out = _emb_kernel(n_rows)(tok_flat, table_pad)
    return out[:, :EMB].reshape(b, l, EMB)

# --- scband reference (transcript-rebuilt; emitter-appended) ---
"""Pipeline reference for scband-word-embedding-55164559950414 (READ-ONLY COPY).

The authoritative reference and input builder live on the scoring server;
editing this copy changes nothing except your own understanding.
"""

import jax, jax.numpy as jnp
import numpy as np

VOCAB = 100002  # 100000 words + 2 special rows
EMB = 300
B, L = 4096, 200

def setup_inputs(seed: int = 0) -> dict:
    key = jax.random.key(seed)
    k_tok, k_tab = jax.random.split(key)
    tokens = jax.random.randint(k_tok, (B, L), 0, VOCAB, dtype=jnp.int64 if jax.config.jax_enable_x64 else jnp.int32)
    table = jax.random.normal(k_tab, (VOCAB, EMB), dtype=jnp.float32)
    return {"tokens": tokens, "table": table}

def reference(tokens, table):
    # WordEmbedding.forward: self.embedding(tokens.long()) -> pure row gather
    return jnp.take(table, tokens.astype(jnp.int32), axis=0)

if __name__ == "__main__":
    import jax
    _d = setup_inputs()
    print(jax.jit(kernel)(*tuple(_d.values())))

</pallas_src>

<mosaic_0001>
#map = affine_map<(d0, d1) -> (0, 0)>
module attributes {stable_mosaic.version = 14 : i64} {
  func.func @k(%arg0: i32, %arg1: i32, %arg2: memref<6400x128xi32, #tpu.memory_space<hbm>>, %arg3: memref<100002x384xf32, #tpu.memory_space<hbm>>, %arg4: memref<819200x384xf32, #tpu.memory_space<hbm>>, %arg5: memref<2x128xi32, #tpu.memory_space<vmem>>, %arg6: memref<2x128x384xf32, #tpu.memory_space<vmem>>, %arg7: memref<!tpu.dma_semaphore, #tpu.memory_space<semaphore_mem>>, %arg8: memref<!tpu.dma_semaphore, #tpu.memory_space<semaphore_mem>>) attributes {dimension_semantics = [#tpu.dimension_semantics<core_parallel>, #tpu.dimension_semantics<subcore_parallel>], iteration_bounds = array<i64: 2, 16>, scalar_prefetch = 0 : i64, scratch_operands = 4 : i64, tpu.core_type = #tpu.core_type<sc_vector_subcore>, window_params = [{transform_indices = #map}, {transform_indices = #map}, {transform_indices = #map}]} {
    %mul3A = arith.constant 2 : i32
    %mul3A_0 = arith.muli %arg1, %mul3A : i32
    %add3A = arith.addi %mul3A_0, %arg0 : i32
    %mul3A_1 = arith.constant 200 : i32
    %mul3A_2 = arith.muli %add3A, %mul3A_1 : i32
    %add3A_3 = arith.constant 0 : i32
    %add3A_4 = arith.addi %mul3A_2, %add3A_3 : i32
    %run_scoped3A = arith.constant 0 : i32
    "tpu.region"() ({
      %run_scoped3A_76 = tpu.sem_alloc : memref<!tpu.dma_semaphore, #tpu.memory_space<semaphore_mem>>
      %dma_start3A_77 = arith.constant 0 : i32
      %dma_start3A_78 = tpu.memref_slice %arg5[%run_scoped3A, %dma_start3A_77] : memref<2x128xi32, #tpu.memory_space<vmem>> -> memref<1x128xi32, #tpu.memory_space<vmem>>
      %dma_start3A_79 = tpu.memref_squeeze %dma_start3A_78 : memref<1x128xi32, #tpu.memory_space<vmem>> -> memref<128xi32, #tpu.memory_space<vmem>>
      %dma_start3A_80 = arith.constant 0 : i32
      %dma_start3A_81 = tpu.memref_slice %arg2[%add3A_4, %dma_start3A_80] : memref<6400x128xi32, #tpu.memory_space<hbm>> -> memref<1x128xi32, #tpu.memory_space<hbm>>
      %dma_start3A_82 = tpu.memref_squeeze %dma_start3A_81 : memref<1x128xi32, #tpu.memory_space<hbm>> -> memref<128xi32, #tpu.memory_space<hbm>>
      %dma_start3A_83 = arith.constant 0 : i32
      %dma_start3A_84 = tpu.memref_slice %arg5[%run_scoped3A, %dma_start3A_83] : memref<2x128xi32, #tpu.memory_space<vmem>> -> memref<1x128xi32, #tpu.memory_space<vmem>>
      %dma_start3A_85 = tpu.memref_squeeze %dma_start3A_84 : memref<1x128xi32, #tpu.memory_space<vmem>> -> memref<128xi32, #tpu.memory_space<vmem>>
      %dma_start3A_86 = arith.constant 0 : i32
      %dma_start3A_87 = tpu.memref_slice %arg2[%add3A_4, %dma_start3A_86] : memref<6400x128xi32, #tpu.memory_space<hbm>> -> memref<1x128xi32, #tpu.memory_space<hbm>>
      %dma_start3A_88 = tpu.memref_squeeze %dma_start3A_87 : memref<1x128xi32, #tpu.memory_space<hbm>> -> memref<128xi32, #tpu.memory_space<hbm>>
      tpu.enqueue_dma source(%dma_start3A_88 : memref<128xi32, #tpu.memory_space<hbm>>) target(%dma_start3A_85 : memref<128xi32, #tpu.memory_space<vmem>>) target_semaphore(%run_scoped3A_76 : memref<!tpu.dma_semaphore, #tpu.memory_space<semaphore_mem>>)
      %dma_wait3A_89 = arith.constant 0 : i32
      %dma_wait3A_90 = tpu.memref_slice %arg5[%run_scoped3A, %dma_wait3A_89] : memref<2x128xi32, #tpu.memory_space<vmem>> -> memref<1x128xi32, #tpu.memory_space<vmem>>
      %dma_wait3A_91 = tpu.memref_squeeze %dma_wait3A_90 : memref<1x128xi32, #tpu.memory_space<vmem>> -> memref<128xi32, #tpu.memory_space<vmem>>
      %dma_wait3A_92 = arith.constant 0 : i32
      %dma_wait3A_93 = tpu.memref_slice %arg2[%add3A_4, %dma_wait3A_92] : memref<6400x128xi32, #tpu.memory_space<hbm>> -> memref<1x128xi32, #tpu.memory_space<hbm>>
      %dma_wait3A_94 = tpu.memref_squeeze %dma_wait3A_93 : memref<1x128xi32, #tpu.memory_space<hbm>> -> memref<128xi32, #tpu.memory_space<hbm>>
      %dma_wait3A_95 = arith.constant 0 : i32
      %dma_wait3A_96 = tpu.memref_slice %arg5[%run_scoped3A, %dma_wait3A_95] : memref<2x128xi32, #tpu.memory_space<vmem>> -> memref<1x128xi32, #tpu.memory_space<vmem>>
      %dma_wait3A_97 = tpu.memref_squeeze %dma_wait3A_96 : memref<1x128xi32, #tpu.memory_space<vmem>> -> memref<128xi32, #tpu.memory_space<vmem>>
      %dma_wait3A_98 = arith.constant 0 : i32
      %dma_wait3A_99 = tpu.memref_slice %arg2[%add3A_4, %dma_wait3A_98] : memref<6400x128xi32, #tpu.memory_space<hbm>> -> memref<1x128xi32, #tpu.memory_space<hbm>>
      %dma_wait3A_100 = tpu.memref_squeeze %dma_wait3A_99 : memref<1x128xi32, #tpu.memory_space<hbm>> -> memref<128xi32, #tpu.memory_space<hbm>>
      tpu.wait_dma2 semaphore(%run_scoped3A_76 : memref<!tpu.dma_semaphore, #tpu.memory_space<semaphore_mem>>) src(%dma_wait3A_100 : memref<128xi32, #tpu.memory_space<hbm>>) dst(%dma_wait3A_97 : memref<128xi32, #tpu.memory_space<vmem>>)
      tpu.yield
    }) : () -> ()
    %dma_start3A = arith.constant 0 : i32
    %dma_start3A_5 = arith.constant 0 : i32
    %dma_start3A_6 = arith.constant 0 : i32
    %dma_start3A_7 = arith.constant 0 : i32
    %dma_start3A_8 = tpu.memref_slice %arg6[%dma_start3A_5, %dma_start3A_6, %dma_start3A_7] : memref<2x128x384xf32, #tpu.memory_space<vmem>> -> memref<1x128x384xf32, #tpu.memory_space<vmem>>
    %dma_start3A_9 = tpu.memref_squeeze %dma_start3A_8 : memref<1x128x384xf32, #tpu.memory_space<vmem>> -> memref<128x384xf32, #tpu.memory_space<vmem>>
    %dma_start3A_10 = arith.constant 0 : i32
    %dma_start3A_11 = tpu.memref_slice %arg5[%dma_start3A, %dma_start3A_10] : memref<2x128xi32, #tpu.memory_space<vmem>> -> memref<1x128xi32, #tpu.memory_space<vmem>>
    %dma_start3A_12 = tpu.memref_squeeze %dma_start3A_11 : memref<1x128xi32, #tpu.memory_space<vmem>> -> memref<128xi32, #tpu.memory_space<vmem>>
    %dma_start3A_13 = arith.constant 0 : i32
    %dma_start3A_14 = arith.constant 0 : i32
    %dma_start3A_15 = tpu.memref_slice %arg3[%dma_start3A_13, %dma_start3A_14] : memref<100002x384xf32, #tpu.memory_space<hbm>> -> memref<100002x384xf32, #tpu.memory_space<hbm>>
    tpu.enqueue_indirect_dma source(%dma_start3A_15 : memref<100002x384xf32, #tpu.memory_space<hbm>>) target(%dma_start3A_9 : memref<128x384xf32, #tpu.memory_space<vmem>>) offsets(%dma_start3A_12 : memref<128xi32, #tpu.memory_space<vmem>>) semaphore(%arg7 : memref<!tpu.dma_semaphore, #tpu.memory_space<semaphore_mem>>)
    %add3A_16 = arith.constant 1 : i32
    %add3A_17 = arith.addi %mul3A_2, %add3A_16 : i32
    %run_scoped3A_18 = arith.constant 1 : i32
    "tpu.region"() ({
      %run_scoped3A_76 = tpu.sem_alloc : memref<!tpu.dma_semaphore, #tpu.memory_space<semaphore_mem>>
      %dma_start3A_77 = arith.constant 0 : i32
      %dma_start3A_78 = tpu.memref_slice %arg5[%run_scoped3A_18, %dma_start3A_77] : memref<2x128xi32, #tpu.memory_space<vmem>> -> memref<1x128xi32, #tpu.memory_space<vmem>>
      %dma_start3A_79 = tpu.memref_squeeze %dma_start3A_78 : memref<1x128xi32, #tpu.memory_space<vmem>> -> memref<128xi32, #tpu.memory_space<vmem>>
      %dma_start3A_80 = arith.constant 0 : i32
      %dma_start3A_81 = tpu.memref_slice %arg2[%add3A_17, %dma_start3A_80] : memref<6400x128xi32, #tpu.memory_space<hbm>> -> memref<1x128xi32, #tpu.memory_space<hbm>>
      %dma_start3A_82 = tpu.memref_squeeze %dma_start3A_81 : memref<1x128xi32, #tpu.memory_space<hbm>> -> memref<128xi32, #tpu.memory_space<hbm>>
      %dma_start3A_83 = arith.constant 0 : i32
      %dma_start3A_84 = tpu.memref_slice %arg5[%run_scoped3A_18, %dma_start3A_83] : memref<2x128xi32, #tpu.memory_space<vmem>> -> memref<1x128xi32, #tpu.memory_space<vmem>>
      %dma_start3A_85 = tpu.memref_squeeze %dma_start3A_84 : memref<1x128xi32, #tpu.memory_space<vmem>> -> memref<128xi32, #tpu.memory_space<vmem>>
      %dma_start3A_86 = arith.constant 0 : i32
      %dma_start3A_87 = tpu.memref_slice %arg2[%add3A_17, %dma_start3A_86] : memref<6400x128xi32, #tpu.memory_space<hbm>> -> memref<1x128xi32, #tpu.memory_space<hbm>>
      %dma_start3A_88 = tpu.memref_squeeze %dma_start3A_87 : memref<1x128xi32, #tpu.memory_space<hbm>> -> memref<128xi32, #tpu.memory_space<hbm>>
      tpu.enqueue_dma source(%dma_start3A_88 : memref<128xi32, #tpu.memory_space<hbm>>) target(%dma_start3A_85 : memref<128xi32, #tpu.memory_space<vmem>>) target_semaphore(%run_scoped3A_76 : memref<!tpu.dma_semaphore, #tpu.memory_space<semaphore_mem>>)
      %dma_wait3A_89 = arith.constant 0 : i32
      %dma_wait3A_90 = tpu.memref_slice %arg5[%run_scoped3A_18, %dma_wait3A_89] : memref<2x128xi32, #tpu.memory_space<vmem>> -> memref<1x128xi32, #tpu.memory_space<vmem>>
      %dma_wait3A_91 = tpu.memref_squeeze %dma_wait3A_90 : memref<1x128xi32, #tpu.memory_space<vmem>> -> memref<128xi32, #tpu.memory_space<vmem>>
      %dma_wait3A_92 = arith.constant 0 : i32
      %dma_wait3A_93 = tpu.memref_slice %arg2[%add3A_17, %dma_wait3A_92] : memref<6400x128xi32, #tpu.memory_space<hbm>> -> memref<1x128xi32, #tpu.memory_space<hbm>>
      %dma_wait3A_94 = tpu.memref_squeeze %dma_wait3A_93 : memref<1x128xi32, #tpu.memory_space<hbm>> -> memref<128xi32, #tpu.memory_space<hbm>>
      %dma_wait3A_95 = arith.constant 0 : i32
      %dma_wait3A_96 = tpu.memref_slice %arg5[%run_scoped3A_18, %dma_wait3A_95] : memref<2x128xi32, #tpu.memory_space<vmem>> -> memref<1x128xi32, #tpu.memory_space<vmem>>
      %dma_wait3A_97 = tpu.memref_squeeze %dma_wait3A_96 : memref<1x128xi32, #tpu.memory_space<vmem>> -> memref<128xi32, #tpu.memory_space<vmem>>
      %dma_wait3A_98 = arith.constant 0 : i32
      %dma_wait3A_99 = tpu.memref_slice %arg2[%add3A_17, %dma_wait3A_98] : memref<6400x128xi32, #tpu.memory_space<hbm>> -> memref<1x128xi32, #tpu.memory_space<hbm>>
      %dma_wait3A_100 = tpu.memref_squeeze %dma_wait3A_99 : memref<1x128xi32, #tpu.memory_space<hbm>> -> memref<128xi32, #tpu.memory_space<hbm>>
      tpu.wait_dma2 semaphore(%run_scoped3A_76 : memref<!tpu.dma_semaphore, #tpu.memory_space<semaphore_mem>>) src(%dma_wait3A_100 : memref<128xi32, #tpu.memory_space<hbm>>) dst(%dma_wait3A_97 : memref<128xi32, #tpu.memory_space<vmem>>)
      tpu.yield
    }) : () -> ()
    %dma_start3A_19 = arith.constant 1 : i32
    %dma_start3A_20 = arith.constant 1 : i32
    %dma_start3A_21 = arith.constant 0 : i32
    %dma_start3A_22 = arith.constant 0 : i32
    %dma_start3A_23 = tpu.memref_slice %arg6[%dma_start3A_20, %dma_start3A_21, %dma_start3A_22] : memref<2x128x384xf32, #tpu.memory_space<vmem>> -> memref<1x128x384xf32, #tpu.memory_space<vmem>>
    %dma_start3A_24 = tpu.memref_squeeze %dma_start3A_23 : memref<1x128x384xf32, #tpu.memory_space<vmem>> -> memref<128x384xf32, #tpu.memory_space<vmem>>
    %dma_start3A_25 = arith.constant 0 : i32
    %dma_start3A_26 = tpu.memref_slice %arg5[%dma_start3A_19, %dma_start3A_25] : memref<2x128xi32, #tpu.memory_space<vmem>> -> memref<1x128xi32, #tpu.memory_space<vmem>>
    %dma_start3A_27 = tpu.memref_squeeze %dma_start3A_26 : memref<1x128xi32, #tpu.memory_space<vmem>> -> memref<128xi32, #tpu.memory_space<vmem>>
    %dma_start3A_28 = arith.constant 0 : i32
    %dma_start3A_29 = arith.constant 0 : i32
    %dma_start3A_30 = tpu.memref_slice %arg3[%dma_start3A_28, %dma_start3A_29] : memref<100002x384xf32, #tpu.memory_space<hbm>> -> memref<100002x384xf32, #tpu.memory_space<hbm>>
    tpu.enqueue_indirect_dma source(%dma_start3A_30 : memref<100002x384xf32, #tpu.memory_space<hbm>>) target(%dma_start3A_24 : memref<128x384xf32, #tpu.memory_space<vmem>>) offsets(%dma_start3A_27 : memref<128xi32, #tpu.memory_space<vmem>>) semaphore(%arg8 : memref<!tpu.dma_semaphore, #tpu.memory_space<semaphore_mem>>)
    %scan3A = arith.constant 0 : i32
    %scan3A_31 = arith.constant 0 : i32
    %scan3A_32 = arith.constant 99 : i32
    %scan3A_33 = arith.addi %scan3A_31, %scan3A_32 : i32
    %scan3A_34 = arith.constant 1 : i32
    scf.for %scan3A_76 = %scan3A_31 to %scan3A_33 step %scan3A_34  : i32 {
      %mul3A_77 = arith.constant 2 : i32
      %mul3A_78 = arith.muli %mul3A_77, %scan3A_76 : i32
      %add3A_79 = arith.addi %mul3A_2, %mul3A_78 : i32
      %add3A_80 = arith.constant 0 : i32
      %add3A_81 = arith.addi %add3A_79, %add3A_80 : i32
      %dma_wait3A_82 = arith.constant 0 : i32
      %dma_wait3A_83 = arith.constant 0 : i32
      %dma_wait3A_84 = arith.constant 0 : i32
      %dma_wait3A_85 = arith.constant 0 : i32
      %dma_wait3A_86 = tpu.memref_slice %arg6[%dma_wait3A_83, %dma_wait3A_84, %dma_wait3A_85] : memref<2x128x384xf32, #tpu.memory_space<vmem>> -> memref<1x128x384xf32, #tpu.memory_space<vmem>>
      %dma_wait3A_87 = tpu.memref_squeeze %dma_wait3A_86 : memref<1x128x384xf32, #tpu.memory_space<vmem>> -> memref<128x384xf32, #tpu.memory_space<vmem>>
      %dma_wait3A_88 = arith.constant 0 : i32
      %dma_wait3A_89 = tpu.memref_slice %arg5[%dma_wait3A_82, %dma_wait3A_88] : memref<2x128xi32, #tpu.memory_space<vmem>> -> memref<1x128xi32, #tpu.memory_space<vmem>>
      %dma_wait3A_90 = tpu.memref_squeeze %dma_wait3A_89 : memref<1x128xi32, #tpu.memory_space<vmem>> -> memref<128xi32, #tpu.memory_space<vmem>>
      %dma_wait3A_91 = arith.constant 0 : i32
      %dma_wait3A_92 = arith.constant 0 : i32
      %dma_wait3A_93 = tpu.memref_slice %arg3[%dma_wait3A_91, %dma_wait3A_92] : memref<100002x384xf32, #tpu.memory_space<hbm>> -> memref<100002x384xf32, #tpu.memory_space<hbm>>
      tpu.wait_indirect_dma semaphore(%arg7 : memref<!tpu.dma_semaphore, #tpu.memory_space<semaphore_mem>>) src(%dma_wait3A_93 : memref<100002x384xf32, #tpu.memory_space<hbm>>) dst(%dma_wait3A_87 : memref<128x384xf32, #tpu.memory_space<vmem>>)
      %mul3A_94 = arith.constant 128 : i32
      %mul3A_95 = arith.muli %add3A_81, %mul3A_94 : i32
      %run_scoped3A_96 = arith.constant 0 : i32
      "tpu.region"() ({
        %run_scoped3A_147 = tpu.sem_alloc : memref<!tpu.dma_semaphore, #tpu.memory_space<semaphore_mem>>
        %dma_start3A_148 = arith.constant 0 : i32
        %dma_start3A_149 = arith.constant 0 : i32
        %dma_start3A_150 = tpu.memref_slice %arg6[%run_scoped3A_96, %dma_start3A_148, %dma_start3A_149] : memref<2x128x384xf32, #tpu.memory_space<vmem>> -> memref<1x128x384xf32, #tpu.memory_space<vmem>>
        %dma_start3A_151 = tpu.memref_squeeze %dma_start3A_150 : memref<1x128x384xf32, #tpu.memory_space<vmem>> -> memref<128x384xf32, #tpu.memory_space<vmem>>
        %dma_start3A_152 = arith.constant 0 : i32
        %dma_start3A_153 = tpu.memref_slice %arg4[%mul3A_95, %dma_start3A_152] : memref<819200x384xf32, #tpu.memory_space<hbm>> -> memref<128x384xf32, #tpu.memory_space<hbm>>
        %dma_start3A_154 = arith.constant 0 : i32
        %dma_start3A_155 = tpu.memref_slice %arg4[%mul3A_95, %dma_start3A_154] : memref<819200x384xf32, #tpu.memory_space<hbm>> -> memref<128x384xf32, #tpu.memory_space<hbm>>
        %dma_start3A_156 = arith.constant 0 : i32
        %dma_start3A_157 = arith.constant 0 : i32
        %dma_start3A_158 = tpu.memref_slice %arg6[%run_scoped3A_96, %dma_start3A_156, %dma_start3A_157] : memref<2x128x384xf32, #tpu.memory_space<vmem>> -> memref<1x128x384xf32, #tpu.memory_space<vmem>>
        %dma_start3A_159 = tpu.memref_squeeze %dma_start3A_158 : memref<1x128x384xf32, #tpu.memory_space<vmem>> -> memref<128x384xf32, #tpu.memory_space<vmem>>
        tpu.enqueue_dma source(%dma_start3A_159 : memref<128x384xf32, #tpu.memory_space<vmem>>) target(%dma_start3A_155 : memref<128x384xf32, #tpu.memory_space<hbm>>) target_semaphore(%run_scoped3A_147 : memref<!tpu.dma_semaphore, #tpu.memory_space<semaphore_mem>>)
        %dma_wait3A_160 = arith.constant 0 : i32
        %dma_wait3A_161 = arith.constant 0 : i32
        %dma_wait3A_162 = tpu.memref_slice %arg6[%run_scoped3A_96, %dma_wait3A_160, %dma_wait3A_161] : memref<2x128x384xf32, #tpu.memory_space<vmem>> -> memref<1x128x384xf32, #tpu.memory_space<vmem>>
        %dma_wait3A_163 = tpu.memref_squeeze %dma_wait3A_162 : memref<1x128x384xf32, #tpu.memory_space<vmem>> -> memref<128x384xf32, #tpu.memory_space<vmem>>
        %dma_wait3A_164 = arith.constant 0 : i32
        %dma_wait3A_165 = tpu.memref_slice %arg4[%mul3A_95, %dma_wait3A_164] : memref<819200x384xf32, #tpu.memory_space<hbm>> -> memref<128x384xf32, #tpu.memory_space<hbm>>
        %dma_wait3A_166 = arith.constant 0 : i32
        %dma_wait3A_167 = tpu.memref_slice %arg4[%mul3A_95, %dma_wait3A_166] : memref<819200x384xf32, #tpu.memory_space<hbm>> -> memref<128x384xf32, #tpu.memory_space<hbm>>
        %dma_wait3A_168 = arith.constant 0 : i32
        %dma_wait3A_169 = arith.constant 0 : i32
        %dma_wait3A_170 = tpu.memref_slice %arg6[%run_scoped3A_96, %dma_wait3A_168, %dma_wait3A_169] : memref<2x128x384xf32, #tpu.memory_space<vmem>> -> memref<1x128x384xf32, #tpu.memory_space<vmem>>
        %dma_wait3A_171 = tpu.memref_squeeze %dma_wait3A_170 : memref<1x128x384xf32, #tpu.memory_space<vmem>> -> memref<128x384xf32, #tpu.memory_space<vmem>>
        tpu.wait_dma2 semaphore(%run_scoped3A_147 : memref<!tpu.dma_semaphore, #tpu.memory_space<semaphore_mem>>) src(%dma_wait3A_171 : memref<128x384xf32, #tpu.memory_space<vmem>>) dst(%dma_wait3A_167 : memref<128x384xf32, #tpu.memory_space<hbm>>)
        tpu.yield
      }) : () -> ()
      %add3A_97 = arith.constant 2 : i32
      %add3A_98 = arith.addi %add3A_81, %add3A_97 : i32
      %run_scoped3A_99 = arith.constant 0 : i32
      "tpu.region"() ({
        %run_scoped3A_147 = tpu.sem_alloc : memref<!tpu.dma_semaphore, #tpu.memory_space<semaphore_mem>>
        %dma_start3A_148 = arith.constant 0 : i32
        %dma_start3A_149 = tpu.memref_slice %arg5[%run_scoped3A_99, %dma_start3A_148] : memref<2x128xi32, #tpu.memory_space<vmem>> -> memref<1x128xi32, #tpu.memory_space<vmem>>
        %dma_start3A_150 = tpu.memref_squeeze %dma_start3A_149 : memref<1x128xi32, #tpu.memory_space<vmem>> -> memref<128xi32, #tpu.memory_space<vmem>>
        %dma_start3A_151 = arith.constant 0 : i32
        %dma_start3A_152 = tpu.memref_slice %arg2[%add3A_98, %dma_start3A_151] : memref<6400x128xi32, #tpu.memory_space<hbm>> -> memref<1x128xi32, #tpu.memory_space<hbm>>
        %dma_start3A_153 = tpu.memref_squeeze %dma_start3A_152 : memref<1x128xi32, #tpu.memory_space<hbm>> -> memref<128xi32, #tpu.memory_space<hbm>>
        %dma_start3A_154 = arith.constant 0 : i32
        %dma_start3A_155 = tpu.memref_slice %arg5[%run_scoped3A_99, %dma_start3A_154] : memref<2x128xi32, #tpu.memory_space<vmem>> -> memref<1x128xi32, #tpu.memory_space<vmem>>
        %dma_start3A_156 = tpu.memref_squeeze %dma_start3A_155 : memref<1x128xi32, #tpu.memory_space<vmem>> -> memref<128xi32, #tpu.memory_space<vmem>>
        %dma_start3A_157 = arith.constant 0 : i32
        %dma_start3A_158 = tpu.memref_slice %arg2[%add3A_98, %dma_start3A_157] : memref<6400x128xi32, #tpu.memory_space<hbm>> -> memref<1x128xi32, #tpu.memory_space<hbm>>
        %dma_start3A_159 = tpu.memref_squeeze %dma_start3A_158 : memref<1x128xi32, #tpu.memory_space<hbm>> -> memref<128xi32, #tpu.memory_space<hbm>>
        tpu.enqueue_dma source(%dma_start3A_159 : memref<128xi32, #tpu.memory_space<hbm>>) target(%dma_start3A_156 : memref<128xi32, #tpu.memory_space<vmem>>) target_semaphore(%run_scoped3A_147 : memref<!tpu.dma_semaphore, #tpu.memory_space<semaphore_mem>>)
        %dma_wait3A_160 = arith.constant 0 : i32
        %dma_wait3A_161 = tpu.memref_slice %arg5[%run_scoped3A_99, %dma_wait3A_160] : memref<2x128xi32, #tpu.memory_space<vmem>> -> memref<1x128xi32, #tpu.memory_space<vmem>>
        %dma_wait3A_162 = tpu.memref_squeeze %dma_wait3A_161 : memref<1x128xi32, #tpu.memory_space<vmem>> -> memref<128xi32, #tpu.memory_space<vmem>>
        %dma_wait3A_163 = arith.constant 0 : i32
        %dma_wait3A_164 = tpu.memref_slice %arg2[%add3A_98, %dma_wait3A_163] : memref<6400x128xi32, #tpu.memory_space<hbm>> -> memref<1x128xi32, #tpu.memory_space<hbm>>
        %dma_wait3A_165 = tpu.memref_squeeze %dma_wait3A_164 : memref<1x128xi32, #tpu.memory_space<hbm>> -> memref<128xi32, #tpu.memory_space<hbm>>
        %dma_wait3A_166 = arith.constant 0 : i32
        %dma_wait3A_167 = tpu.memref_slice %arg5[%run_scoped3A_99, %dma_wait3A_166] : memref<2x128xi32, #tpu.memory_space<vmem>> -> memref<1x128xi32, #tpu.memory_space<vmem>>
        %dma_wait3A_168 = tpu.memref_squeeze %dma_wait3A_167 : memref<1x128xi32, #tpu.memory_space<vmem>> -> memref<128xi32, #tpu.memory_space<vmem>>
        %dma_wait3A_169 = arith.constant 0 : i32
        %dma_wait3A_170 = tpu.memref_slice %arg2[%add3A_98, %dma_wait3A_169] : memref<6400x128xi32, #tpu.memory_space<hbm>> -> memref<1x128xi32, #tpu.memory_space<hbm>>
        %dma_wait3A_171 = tpu.memref_squeeze %dma_wait3A_170 : memref<1x128xi32, #tpu.memory_space<hbm>> -> memref<128xi32, #tpu.memory_space<hbm>>
        tpu.wait_dma2 semaphore(%run_scoped3A_147 : memref<!tpu.dma_semaphore, #tpu.memory_space<semaphore_mem>>) src(%dma_wait3A_171 : memref<128xi32, #tpu.memory_space<hbm>>) dst(%dma_wait3A_168 : memref<128xi32, #tpu.memory_space<vmem>>)
        tpu.yield
      }) : () -> ()
      %dma_start3A_100 = arith.constant 0 : i32
      %dma_start3A_101 = arith.constant 0 : i32
      %dma_start3A_102 = arith.constant 0 : i32
      %dma_start3A_103 = arith.constant 0 : i32
      %dma_start3A_104 = tpu.memref_slice %arg6[%dma_start3A_101, %dma_start3A_102, %dma_start3A_103] : memref<2x128x384xf32, #tpu.memory_space<vmem>> -> memref<1x128x384xf32, #tpu.memory_space<vmem>>
      %dma_start3A_105 = tpu.memref_squeeze %dma_start3A_104 : memref<1x128x384xf32, #tpu.memory_space<vmem>> -> memref<128x384xf32, #tpu.memory_space<vmem>>
      %dma_start3A_106 = arith.constant 0 : i32
      %dma_start3A_107 = tpu.memref_slice %arg5[%dma_start3A_100, %dma_start3A_106] : memref<2x128xi32, #tpu.memory_space<vmem>> -> memref<1x128xi32, #tpu.memory_space<vmem>>
      %dma_start3A_108 = tpu.memref_squeeze %dma_start3A_107 : memref<1x128xi32, #tpu.memory_space<vmem>> -> memref<128xi32, #tpu.memory_space<vmem>>
      %dma_start3A_109 = arith.constant 0 : i32
      %dma_start3A_110 = arith.constant 0 : i32
      %dma_start3A_111 = tpu.memref_slice %arg3[%dma_start3A_109, %dma_start3A_110] : memref<100002x384xf32, #tpu.memory_space<hbm>> -> memref<100002x384xf32, #tpu.memory_space<hbm>>
      tpu.enqueue_indirect_dma source(%dma_start3A_111 : memref<100002x384xf32, #tpu.memory_space<hbm>>) target(%dma_start3A_105 : memref<128x384xf32, #tpu.memory_space<vmem>>) offsets(%dma_start3A_108 : memref<128xi32, #tpu.memory_space<vmem>>) semaphore(%arg7 : memref<!tpu.dma_semaphore, #tpu.memory_space<semaphore_mem>>)
      %mul3A_112 = arith.constant 2 : i32
      %mul3A_113 = arith.muli %mul3A_112, %scan3A_76 : i32
      %add3A_114 = arith.addi %mul3A_2, %mul3A_113 : i32
      %add3A_115 = arith.constant 1 : i32
      %add3A_116 = arith.addi %add3A_114, %add3A_115 : i32
      %dma_wait3A_117 = arith.constant 1 : i32
      %dma_wait3A_118 = arith.constant 1 : i32
      %dma_wait3A_119 = arith.constant 0 : i32
      %dma_wait3A_120 = arith.constant 0 : i32
      %dma_wait3A_121 = tpu.memref_slice %arg6[%dma_wait3A_118, %dma_wait3A_119, %dma_wait3A_120] : memref<2x128x384xf32, #tpu.memory_space<vmem>> -> memref<1x128x384xf32, #tpu.memory_space<vmem>>
      %dma_wait3A_122 = tpu.memref_squeeze %dma_wait3A_121 : memref<1x128x384xf32, #tpu.memory_space<vmem>> -> memref<128x384xf32, #tpu.memory_space<vmem>>
      %dma_wait3A_123 = arith.constant 0 : i32
      %dma_wait3A_124 = tpu.memref_slice %arg5[%dma_wait3A_117, %dma_wait3A_123] : memref<2x128xi32, #tpu.memory_space<vmem>> -> memref<1x128xi32, #tpu.memory_space<vmem>>
      %dma_wait3A_125 = tpu.memref_squeeze %dma_wait3A_124 : memref<1x128xi32, #tpu.memory_space<vmem>> -> memref<128xi32, #tpu.memory_space<vmem>>
      %dma_wait3A_126 = arith.constant 0 : i32
      %dma_wait3A_127 = arith.constant 0 : i32
      %dma_wait3A_128 = tpu.memref_slice %arg3[%dma_wait3A_126, %dma_wait3A_127] : memref<100002x384xf32, #tpu.memory_space<hbm>> -> memref<100002x384xf32, #tpu.memory_space<hbm>>
      tpu.wait_indirect_dma semaphore(%arg8 : memref<!tpu.dma_semaphore, #tpu.memory_space<semaphore_mem>>) src(%dma_wait3A_128 : memref<100002x384xf32, #tpu.memory_space<hbm>>) dst(%dma_wait3A_122 : memref<128x384xf32, #tpu.memory_space<vmem>>)
      %mul3A_129 = arith.constant 128 : i32
      %mul3A_130 = arith.muli %add3A_116, %mul3A_129 : i32
      %run_scoped3A_131 = arith.constant 1 : i32
      "tpu.region"() ({
        %run_scoped3A_147 = tpu.sem_alloc : memref<!tpu.dma_semaphore, #tpu.memory_space<semaphore_mem>>
        %dma_start3A_148 = arith.constant 0 : i32
        %dma_start3A_149 = arith.constant 0 : i32
        %dma_start3A_150 = tpu.memref_slice %arg6[%run_scoped3A_131, %dma_start3A_148, %dma_start3A_149] : memref<2x128x384xf32, #tpu.memory_space<vmem>> -> memref<1x128x384xf32, #tpu.memory_space<vmem>>
        %dma_start3A_151 = tpu.memref_squeeze %dma_start3A_150 : memref<1x128x384xf32, #tpu.memory_space<vmem>> -> memref<128x384xf32, #tpu.memory_space<vmem>>
        %dma_start3A_152 = arith.constant 0 : i32
        %dma_start3A_153 = tpu.memref_slice %arg4[%mul3A_130, %dma_start3A_152] : memref<819200x384xf32, #tpu.memory_space<hbm>> -> memref<128x384xf32, #tpu.memory_space<hbm>>
        %dma_start3A_154 = arith.constant 0 : i32
        %dma_start3A_155 = tpu.memref_slice %arg4[%mul3A_130, %dma_start3A_154] : memref<819200x384xf32, #tpu.memory_space<hbm>> -> memref<128x384xf32, #tpu.memory_space<hbm>>
        %dma_start3A_156 = arith.constant 0 : i32
        %dma_start3A_157 = arith.constant 0 : i32
        %dma_start3A_158 = tpu.memref_slice %arg6[%run_scoped3A_131, %dma_start3A_156, %dma_start3A_157] : memref<2x128x384xf32, #tpu.memory_space<vmem>> -> memref<1x128x384xf32, #tpu.memory_space<vmem>>
        %dma_start3A_159 = tpu.memref_squeeze %dma_start3A_158 : memref<1x128x384xf32, #tpu.memory_space<vmem>> -> memref<128x384xf32, #tpu.memory_space<vmem>>
        tpu.enqueue_dma source(%dma_start3A_159 : memref<128x384xf32, #tpu.memory_space<vmem>>) target(%dma_start3A_155 : memref<128x384xf32, #tpu.memory_space<hbm>>) target_semaphore(%run_scoped3A_147 : memref<!tpu.dma_semaphore, #tpu.memory_space<semaphore_mem>>)
        %dma_wait3A_160 = arith.constant 0 : i32
        %dma_wait3A_161 = arith.constant 0 : i32
        %dma_wait3A_162 = tpu.memref_slice %arg6[%run_scoped3A_131, %dma_wait3A_160, %dma_wait3A_161] : memref<2x128x384xf32, #tpu.memory_space<vmem>> -> memref<1x128x384xf32, #tpu.memory_space<vmem>>
        %dma_wait3A_163 = tpu.memref_squeeze %dma_wait3A_162 : memref<1x128x384xf32, #tpu.memory_space<vmem>> -> memref<128x384xf32, #tpu.memory_space<vmem>>
        %dma_wait3A_164 = arith.constant 0 : i32
        %dma_wait3A_165 = tpu.memref_slice %arg4[%mul3A_130, %dma_wait3A_164] : memref<819200x384xf32, #tpu.memory_space<hbm>> -> memref<128x384xf32, #tpu.memory_space<hbm>>
        %dma_wait3A_166 = arith.constant 0 : i32
        %dma_wait3A_167 = tpu.memref_slice %arg4[%mul3A_130, %dma_wait3A_166] : memref<819200x384xf32, #tpu.memory_space<hbm>> -> memref<128x384xf32, #tpu.memory_space<hbm>>
        %dma_wait3A_168 = arith.constant 0 : i32
        %dma_wait3A_169 = arith.constant 0 : i32
        %dma_wait3A_170 = tpu.memref_slice %arg6[%run_scoped3A_131, %dma_wait3A_168, %dma_wait3A_169] : memref<2x128x384xf32, #tpu.memory_space<vmem>> -> memref<1x128x384xf32, #tpu.memory_space<vmem>>
        %dma_wait3A_171 = tpu.memref_squeeze %dma_wait3A_170 : memref<1x128x384xf32, #tpu.memory_space<vmem>> -> memref<128x384xf32, #tpu.memory_space<vmem>>
        tpu.wait_dma2 semaphore(%run_scoped3A_147 : memref<!tpu.dma_semaphore, #tpu.memory_space<semaphore_mem>>) src(%dma_wait3A_171 : memref<128x384xf32, #tpu.memory_space<vmem>>) dst(%dma_wait3A_167 : memref<128x384xf32, #tpu.memory_space<hbm>>)
        tpu.yield
      }) : () -> ()
      %add3A_132 = arith.constant 2 : i32
      %add3A_133 = arith.addi %add3A_116, %add3A_132 : i32
      %run_scoped3A_134 = arith.constant 1 : i32
      "tpu.region"() ({
        %run_scoped3A_147 = tpu.sem_alloc : memref<!tpu.dma_semaphore, #tpu.memory_space<semaphore_mem>>
        %dma_start3A_148 = arith.constant 0 : i32
        %dma_start3A_149 = tpu.memref_slice %arg5[%run_scoped3A_134, %dma_start3A_148] : memref<2x128xi32, #tpu.memory_space<vmem>> -> memref<1x128xi32, #tpu.memory_space<vmem>>
        %dma_start3A_150 = tpu.memref_squeeze %dma_start3A_149 : memref<1x128xi32, #tpu.memory_space<vmem>> -> memref<128xi32, #tpu.memory_space<vmem>>
        %dma_start3A_151 = arith.constant 0 : i32
        %dma_start3A_152 = tpu.memref_slice %arg2[%add3A_133, %dma_start3A_151] : memref<6400x128xi32, #tpu.memory_space<hbm>> -> memref<1x128xi32, #tpu.memory_space<hbm>>
        %dma_start3A_153 = tpu.memref_squeeze %dma_start3A_152 : memref<1x128xi32, #tpu.memory_space<hbm>> -> memref<128xi32, #tpu.memory_space<hbm>>
        %dma_start3A_154 = arith.constant 0 : i32
        %dma_start3A_155 = tpu.memref_slice %arg5[%run_scoped3A_134, %dma_start3A_154] : memref<2x128xi32, #tpu.memory_space<vmem>> -> memref<1x128xi32, #tpu.memory_space<vmem>>
        %dma_start3A_156 = tpu.memref_squeeze %dma_start3A_155 : memref<1x128xi32, #tpu.memory_space<vmem>> -> memref<128xi32, #tpu.memory_space<vmem>>
        %dma_start3A_157 = arith.constant 0 : i32
        %dma_start3A_158 = tpu.memref_slice %arg2[%add3A_133, %dma_start3A_157] : memref<6400x128xi32, #tpu.memory_space<hbm>> -> memref<1x128xi32, #tpu.memory_space<hbm>>
        %dma_start3A_159 = tpu.memref_squeeze %dma_start3A_158 : memref<1x128xi32, #tpu.memory_space<hbm>> -> memref<128xi32, #tpu.memory_space<hbm>>
        tpu.enqueue_dma source(%dma_start3A_159 : memref<128xi32, #tpu.memory_space<hbm>>) target(%dma_start3A_156 : memref<128xi32, #tpu.memory_space<vmem>>) target_semaphore(%run_scoped3A_147 : memref<!tpu.dma_semaphore, #tpu.memory_space<semaphore_mem>>)
        %dma_wait3A_160 = arith.constant 0 : i32
        %dma_wait3A_161 = tpu.memref_slice %arg5[%run_scoped3A_134, %dma_wait3A_160] : memref<2x128xi32, #tpu.memory_space<vmem>> -> memref<1x128xi32, #tpu.memory_space<vmem>>
        %dma_wait3A_162 = tpu.memref_squeeze %dma_wait3A_161 : memref<1x128xi32, #tpu.memory_space<vmem>> -> memref<128xi32, #tpu.memory_space<vmem>>
        %dma_wait3A_163 = arith.constant 0 : i32
        %dma_wait3A_164 = tpu.memref_slice %arg2[%add3A_133, %dma_wait3A_163] : memref<6400x128xi32, #tpu.memory_space<hbm>> -> memref<1x128xi32, #tpu.memory_space<hbm>>
        %dma_wait3A_165 = tpu.memref_squeeze %dma_wait3A_164 : memref<1x128xi32, #tpu.memory_space<hbm>> -> memref<128xi32, #tpu.memory_space<hbm>>
        %dma_wait3A_166 = arith.constant 0 : i32
        %dma_wait3A_167 = tpu.memref_slice %arg5[%run_scoped3A_134, %dma_wait3A_166] : memref<2x128xi32, #tpu.memory_space<vmem>> -> memref<1x128xi32, #tpu.memory_space<vmem>>
        %dma_wait3A_168 = tpu.memref_squeeze %dma_wait3A_167 : memref<1x128xi32, #tpu.memory_space<vmem>> -> memref<128xi32, #tpu.memory_space<vmem>>
        %dma_wait3A_169 = arith.constant 0 : i32
        %dma_wait3A_170 = tpu.memref_slice %arg2[%add3A_133, %dma_wait3A_169] : memref<6400x128xi32, #tpu.memory_space<hbm>> -> memref<1x128xi32, #tpu.memory_space<hbm>>
        %dma_wait3A_171 = tpu.memref_squeeze %dma_wait3A_170 : memref<1x128xi32, #tpu.memory_space<hbm>> -> memref<128xi32, #tpu.memory_space<hbm>>
        tpu.wait_dma2 semaphore(%run_scoped3A_147 : memref<!tpu.dma_semaphore, #tpu.memory_space<semaphore_mem>>) src(%dma_wait3A_171 : memref<128xi32, #tpu.memory_space<hbm>>) dst(%dma_wait3A_168 : memref<128xi32, #tpu.memory_space<vmem>>)
        tpu.yield
      }) : () -> ()
      %dma_start3A_135 = arith.constant 1 : i32
      %dma_start3A_136 = arith.constant 1 : i32
      %dma_start3A_137 = arith.constant 0 : i32
      %dma_start3A_138 = arith.constant 0 : i32
      %dma_start3A_139 = tpu.memref_slice %arg6[%dma_start3A_136, %dma_start3A_137, %dma_start3A_138] : memref<2x128x384xf32, #tpu.memory_space<vmem>> -> memref<1x128x384xf32, #tpu.memory_space<vmem>>
      %dma_start3A_140 = tpu.memref_squeeze %dma_start3A_139 : memref<1x128x384xf32, #tpu.memory_space<vmem>> -> memref<128x384xf32, #tpu.memory_space<vmem>>
      %dma_start3A_141 = arith.constant 0 : i32
      %dma_start3A_142 = tpu.memref_slice %arg5[%dma_start3A_135, %dma_start3A_141] : memref<2x128xi32, #tpu.memory_space<vmem>> -> memref<1x128xi32, #tpu.memory_space<vmem>>
      %dma_start3A_143 = tpu.memref_squeeze %dma_start3A_142 : memref<1x128xi32, #tpu.memory_space<vmem>> -> memref<128xi32, #tpu.memory_space<vmem>>
      %dma_start3A_144 = arith.constant 0 : i32
      %dma_start3A_145 = arith.constant 0 : i32
      %dma_start3A_146 = tpu.memref_slice %arg3[%dma_start3A_144, %dma_start3A_145] : memref<100002x384xf32, #tpu.memory_space<hbm>> -> memref<100002x384xf32, #tpu.memory_space<hbm>>
      tpu.enqueue_indirect_dma source(%dma_start3A_146 : memref<100002x384xf32, #tpu.memory_space<hbm>>) target(%dma_start3A_140 : memref<128x384xf32, #tpu.memory_space<vmem>>) offsets(%dma_start3A_143 : memref<128xi32, #tpu.memory_space<vmem>>) semaphore(%arg8 : memref<!tpu.dma_semaphore, #tpu.memory_space<semaphore_mem>>)
    }
    %scan3A_35 = arith.constant 99 : i32
    %add3A_36 = arith.constant 200 : i32
    %add3A_37 = arith.addi %mul3A_2, %add3A_36 : i32
    %sub3A = arith.constant 2 : i32
    %sub3A_38 = arith.subi %add3A_37, %sub3A : i32
    %add3A_39 = arith.constant 0 : i32
    %add3A_40 = arith.addi %sub3A_38, %add3A_39 : i32
    %dma_wait3A = arith.constant 0 : i32
    %dma_wait3A_41 = arith.constant 0 : i32
    %dma_wait3A_42 = arith.constant 0 : i32
    %dma_wait3A_43 = arith.constant 0 : i32
    %dma_wait3A_44 = tpu.memref_slice %arg6[%dma_wait3A_41, %dma_wait3A_42, %dma_wait3A_43] : memref<2x128x384xf32, #tpu.memory_space<vmem>> -> memref<1x128x384xf32, #tpu.memory_space<vmem>>
    %dma_wait3A_45 = tpu.memref_squeeze %dma_wait3A_44 : memref<1x128x384xf32, #tpu.memory_space<vmem>> -> memref<128x384xf32, #tpu.memory_space<vmem>>
    %dma_wait3A_46 = arith.constant 0 : i32
    %dma_wait3A_47 = tpu.memref_slice %arg5[%dma_wait3A, %dma_wait3A_46] : memref<2x128xi32, #tpu.memory_space<vmem>> -> memref<1x128xi32, #tpu.memory_space<vmem>>
    %dma_wait3A_48 = tpu.memref_squeeze %dma_wait3A_47 : memref<1x128xi32, #tpu.memory_space<vmem>> -> memref<128xi32, #tpu.memory_space<vmem>>
    %dma_wait3A_49 = arith.constant 0 : i32
    %dma_wait3A_50 = arith.constant 0 : i32
    %dma_wait3A_51 = tpu.memref_slice %arg3[%dma_wait3A_49, %dma_wait3A_50] : memref<100002x384xf32, #tpu.memory_space<hbm>> -> memref<100002x384xf32, #tpu.memory_space<hbm>>
    tpu.wait_indirect_dma semaphore(%arg7 : memref<!tpu.dma_semaphore, #tpu.memory_space<semaphore_mem>>) src(%dma_wait3A_51 : memref<100002x384xf32, #tpu.memory_space<hbm>>) dst(%dma_wait3A_45 : memref<128x384xf32, #tpu.memory_space<vmem>>)
    %mul3A_52 = arith.constant 128 : i32
    %mul3A_53 = arith.muli %add3A_40, %mul3A_52 : i32
    %run_scoped3A_54 = arith.constant 0 : i32
    "tpu.region"() ({
      %run_scoped3A_76 = tpu.sem_alloc : memref<!tpu.dma_semaphore, #tpu.memory_space<semaphore_mem>>
      %dma_start3A_77 = arith.constant 0 : i32
      %dma_start3A_78 = arith.constant 0 : i32
      %dma_start3A_79 = tpu.memref_slice %arg6[%run_scoped3A_54, %dma_start3A_77, %dma_start3A_78] : memref<2x128x384xf32, #tpu.memory_space<vmem>> -> memref<1x128x384xf32, #tpu.memory_space<vmem>>
      %dma_start3A_80 = tpu.memref_squeeze %dma_start3A_79 : memref<1x128x384xf32, #tpu.memory_space<vmem>> -> memref<128x384xf32, #tpu.memory_space<vmem>>
      %dma_start3A_81 = arith.constant 0 : i32
      %dma_start3A_82 = tpu.memref_slice %arg4[%mul3A_53, %dma_start3A_81] : memref<819200x384xf32, #tpu.memory_space<hbm>> -> memref<128x384xf32, #tpu.memory_space<hbm>>
      %dma_start3A_83 = arith.constant 0 : i32
      %dma_start3A_84 = tpu.memref_slice %arg4[%mul3A_53, %dma_start3A_83] : memref<819200x384xf32, #tpu.memory_space<hbm>> -> memref<128x384xf32, #tpu.memory_space<hbm>>
      %dma_start3A_85 = arith.constant 0 : i32
      %dma_start3A_86 = arith.constant 0 : i32
      %dma_start3A_87 = tpu.memref_slice %arg6[%run_scoped3A_54, %dma_start3A_85, %dma_start3A_86] : memref<2x128x384xf32, #tpu.memory_space<vmem>> -> memref<1x128x384xf32, #tpu.memory_space<vmem>>
      %dma_start3A_88 = tpu.memref_squeeze %dma_start3A_87 : memref<1x128x384xf32, #tpu.memory_space<vmem>> -> memref<128x384xf32, #tpu.memory_space<vmem>>
      tpu.enqueue_dma source(%dma_start3A_88 : memref<128x384xf32, #tpu.memory_space<vmem>>) target(%dma_start3A_84 : memref<128x384xf32, #tpu.memory_space<hbm>>) target_semaphore(%run_scoped3A_76 : memref<!tpu.dma_semaphore, #tpu.memory_space<semaphore_mem>>)
      %dma_wait3A_89 = arith.constant 0 : i32
      %dma_wait3A_90 = arith.constant 0 : i32
      %dma_wait3A_91 = tpu.memref_slice %arg6[%run_scoped3A_54, %dma_wait3A_89, %dma_wait3A_90] : memref<2x128x384xf32, #tpu.memory_space<vmem>> -> memref<1x128x384xf32, #tpu.memory_space<vmem>>
      %dma_wait3A_92 = tpu.memref_squeeze %dma_wait3A_91 : memref<1x128x384xf32, #tpu.memory_space<vmem>> -> memref<128x384xf32, #tpu.memory_space<vmem>>
      %dma_wait3A_93 = arith.constant 0 : i32
      %dma_wait3A_94 = tpu.memref_slice %arg4[%mul3A_53, %dma_wait3A_93] : memref<819200x384xf32, #tpu.memory_space<hbm>> -> memref<128x384xf32, #tpu.memory_space<hbm>>
      %dma_wait3A_95 = arith.constant 0 : i32
      %dma_wait3A_96 = tpu.memref_slice %arg4[%mul3A_53, %dma_wait3A_95] : memref<819200x384xf32, #tpu.memory_space<hbm>> -> memref<128x384xf32, #tpu.memory_space<hbm>>
      %dma_wait3A_97 = arith.constant 0 : i32
      %dma_wait3A_98 = arith.constant 0 : i32
      %dma_wait3A_99 = tpu.memref_slice %arg6[%run_scoped3A_54, %dma_wait3A_97, %dma_wait3A_98] : memref<2x128x384xf32, #tpu.memory_space<vmem>> -> memref<1x128x384xf32, #tpu.memory_space<vmem>>
      %dma_wait3A_100 = tpu.memref_squeeze %dma_wait3A_99 : memref<1x128x384xf32, #tpu.memory_space<vmem>> -> memref<128x384xf32, #tpu.memory_space<vmem>>
      tpu.wait_dma2 semaphore(%run_scoped3A_76 : memref<!tpu.dma_semaphore, #tpu.memory_space<semaphore_mem>>) src(%dma_wait3A_100 : memref<128x384xf32, #tpu.memory_space<vmem>>) dst(%dma_wait3A_96 : memref<128x384xf32, #tpu.memory_space<hbm>>)
      tpu.yield
    }) : () -> ()
    %add3A_55 = arith.constant 200 : i32
    %add3A_56 = arith.addi %mul3A_2, %add3A_55 : i32
    %sub3A_57 = arith.constant 2 : i32
    %sub3A_58 = arith.subi %add3A_56, %sub3A_57 : i32
    %add3A_59 = arith.constant 1 : i32
    %add3A_60 = arith.addi %sub3A_58, %add3A_59 : i32
    %dma_wait3A_61 = arith.constant 1 : i32
    %dma_wait3A_62 = arith.constant 1 : i32
    %dma_wait3A_63 = arith.constant 0 : i32
    %dma_wait3A_64 = arith.constant 0 : i32
    %dma_wait3A_65 = tpu.memref_slice %arg6[%dma_wait3A_62, %dma_wait3A_63, %dma_wait3A_64] : memref<2x128x384xf32, #tpu.memory_space<vmem>> -> memref<1x128x384xf32, #tpu.memory_space<vmem>>
    %dma_wait3A_66 = tpu.memref_squeeze %dma_wait3A_65 : memref<1x128x384xf32, #tpu.memory_space<vmem>> -> memref<128x384xf32, #tpu.memory_space<vmem>>
    %dma_wait3A_67 = arith.constant 0 : i32
    %dma_wait3A_68 = tpu.memref_slice %arg5[%dma_wait3A_61, %dma_wait3A_67] : memref<2x128xi32, #tpu.memory_space<vmem>> -> memref<1x128xi32, #tpu.memory_space<vmem>>
    %dma_wait3A_69 = tpu.memref_squeeze %dma_wait3A_68 : memref<1x128xi32, #tpu.memory_space<vmem>> -> memref<128xi32, #tpu.memory_space<vmem>>
    %dma_wait3A_70 = arith.constant 0 : i32
    %dma_wait3A_71 = arith.constant 0 : i32
    %dma_wait3A_72 = tpu.memref_slice %arg3[%dma_wait3A_70, %dma_wait3A_71] : memref<100002x384xf32, #tpu.memory_space<hbm>> -> memref<100002x384xf32, #tpu.memory_space<hbm>>
    tpu.wait_indirect_dma semaphore(%arg8 : memref<!tpu.dma_semaphore, #tpu.memory_space<semaphore_mem>>) src(%dma_wait3A_72 : memref<100002x384xf32, #tpu.memory_space<hbm>>) dst(%dma_wait3A_66 : memref<128x384xf32, #tpu.memory_space<vmem>>)
    %mul3A_73 = arith.constant 128 : i32
    %mul3A_74 = arith.muli %add3A_60, %mul3A_73 : i32
    %run_scoped3A_75 = arith.constant 1 : i32
    "tpu.region"() ({
      %run_scoped3A_76 = tpu.sem_alloc : memref<!tpu.dma_semaphore, #tpu.memory_space<semaphore_mem>>
      %dma_start3A_77 = arith.constant 0 : i32
      %dma_start3A_78 = arith.constant 0 : i32
      %dma_start3A_79 = tpu.memref_slice %arg6[%run_scoped3A_75, %dma_start3A_77, %dma_start3A_78] : memref<2x128x384xf32, #tpu.memory_space<vmem>> -> memref<1x128x384xf32, #tpu.memory_space<vmem>>
      %dma_start3A_80 = tpu.memref_squeeze %dma_start3A_79 : memref<1x128x384xf32, #tpu.memory_space<vmem>> -> memref<128x384xf32, #tpu.memory_space<vmem>>
      %dma_start3A_81 = arith.constant 0 : i32
      %dma_start3A_82 = tpu.memref_slice %arg4[%mul3A_74, %dma_start3A_81] : memref<819200x384xf32, #tpu.memory_space<hbm>> -> memref<128x384xf32, #tpu.memory_space<hbm>>
      %dma_start3A_83 = arith.constant 0 : i32
      %dma_start3A_84 = tpu.memref_slice %arg4[%mul3A_74, %dma_start3A_83] : memref<819200x384xf32, #tpu.memory_space<hbm>> -> memref<128x384xf32, #tpu.memory_space<hbm>>
      %dma_start3A_85 = arith.constant 0 : i32
      %dma_start3A_86 = arith.constant 0 : i32
      %dma_start3A_87 = tpu.memref_slice %arg6[%run_scoped3A_75, %dma_start3A_85, %dma_start3A_86] : memref<2x128x384xf32, #tpu.memory_space<vmem>> -> memref<1x128x384xf32, #tpu.memory_space<vmem>>
      %dma_start3A_88 = tpu.memref_squeeze %dma_start3A_87 : memref<1x128x384xf32, #tpu.memory_space<vmem>> -> memref<128x384xf32, #tpu.memory_space<vmem>>
      tpu.enqueue_dma source(%dma_start3A_88 : memref<128x384xf32, #tpu.memory_space<vmem>>) target(%dma_start3A_84 : memref<128x384xf32, #tpu.memory_space<hbm>>) target_semaphore(%run_scoped3A_76 : memref<!tpu.dma_semaphore, #tpu.memory_space<semaphore_mem>>)
      %dma_wait3A_89 = arith.constant 0 : i32
      %dma_wait3A_90 = arith.constant 0 : i32
      %dma_wait3A_91 = tpu.memref_slice %arg6[%run_scoped3A_75, %dma_wait3A_89, %dma_wait3A_90] : memref<2x128x384xf32, #tpu.memory_space<vmem>> -> memref<1x128x384xf32, #tpu.memory_space<vmem>>
      %dma_wait3A_92 = tpu.memref_squeeze %dma_wait3A_91 : memref<1x128x384xf32, #tpu.memory_space<vmem>> -> memref<128x384xf32, #tpu.memory_space<vmem>>
      %dma_wait3A_93 = arith.constant 0 : i32
      %dma_wait3A_94 = tpu.memref_slice %arg4[%mul3A_74, %dma_wait3A_93] : memref<819200x384xf32, #tpu.memory_space<hbm>> -> memref<128x384xf32, #tpu.memory_space<hbm>>
      %dma_wait3A_95 = arith.constant 0 : i32
      %dma_wait3A_96 = tpu.memref_slice %arg4[%mul3A_74, %dma_wait3A_95] : memref<819200x384xf32, #tpu.memory_space<hbm>> -> memref<128x384xf32, #tpu.memory_space<hbm>>
      %dma_wait3A_97 = arith.constant 0 : i32
      %dma_wait3A_98 = arith.constant 0 : i32
      %dma_wait3A_99 = tpu.memref_slice %arg6[%run_scoped3A_75, %dma_wait3A_97, %dma_wait3A_98] : memref<2x128x384xf32, #tpu.memory_space<vmem>> -> memref<1x128x384xf32, #tpu.memory_space<vmem>>
      %dma_wait3A_100 = tpu.memref_squeeze %dma_wait3A_99 : memref<1x128x384xf32, #tpu.memory_space<vmem>> -> memref<128x384xf32, #tpu.memory_space<vmem>>
      tpu.wait_dma2 semaphore(%run_scoped3A_76 : memref<!tpu.dma_semaphore, #tpu.memory_space<semaphore_mem>>) src(%dma_wait3A_100 : memref<128x384xf32, #tpu.memory_space<vmem>>) dst(%dma_wait3A_96 : memref<128x384xf32, #tpu.memory_space<hbm>>)
      tpu.yield
    }) : () -> ()
    return
  }
}

module attributes {stable_mosaic.version = 14 : i64} {
  func.func @body(%arg0: i32, %arg1: memref<2048x300xf32, #tpu.memory_space<vmem>>, %arg2: memref<2048x384xf32, #tpu.memory_space<vmem>>) attributes {dimension_semantics = [#tpu.dimension_semantics<arbitrary>], iteration_bounds = array<i64: 49>, scalar_prefetch = 0 : i64, scratch_operands = 0 : i64, tpu.core_type = #tpu.core_type<tc>, window_params = [{transform_indices = @transform_0, window_bounds = array<i64: 2048, 300>}, {transform_indices = @transform_1, window_bounds = array<i64: 2048, 384>}]} {
    %get3A = arith.constant 0 : index
    %get3A_0 = arith.constant 0 : index
    %get3A_1 = vector.load %arg1[%get3A, %get3A_0] : memref<2048x300xf32, #tpu.memory_space<vmem>>, vector<2048x300xf32>
    %broadcast_in_dim3A = arith.constant 0.000000e+00 : f32
    %broadcast_in_dim3A_2 = vector.broadcast %broadcast_in_dim3A : f32 to vector<2048x84xf32>
    %concatenate3A = tpu.concatenate %get3A_1, %broadcast_in_dim3A_2 in 1 : vector<2048x300xf32>, vector<2048x84xf32> -> vector<2048x384xf32>
    %swap3A = arith.constant 0 : index
    %swap3A_3 = arith.constant 0 : index
    %swap3A_4 = vector.load %arg2[%swap3A, %swap3A_3] : memref<2048x384xf32, #tpu.memory_space<vmem>>, vector<2048x384xf32>
    tpu.vector_store %arg2[%swap3A, %swap3A_3], %concatenate3A {strides = array<i32>} : memref<2048x384xf32, #tpu.memory_space<vmem>>, vector<2048x384xf32>,
    return
  }
  func.func @transform_0(%arg0: i32) -> (i32, i32) {
    %c0_i32 = arith.constant 0 : i32
    %c0_i32_0 = arith.constant 0 : i32
    return %arg0, %c0_i32 : i32, i32
  }
  func.func @transform_1(%arg0: i32) -> (i32, i32) {
    %c0_i32 = arith.constant 0 : i32
    %c0_i32_0 = arith.constant 0 : i32
    return %arg0, %c0_i32 : i32, i32
  }
}

</mosaic_0001>

<sc_bundles>
// kernel: kernel.4.cloned.1.call-start
scs
__scs_entry_jumppad:
0x0: {  	(pc) =	sbr.rel $0x88, $3  }
0x1: {  	(tag) =	ssettag $0x0;
	lr =	simm.s32 $0x1  }
0x2: {  	[smem:$0x3F9F] =	sst lr;
	_ =	strace $0xD0000000  }
0x3: {  	_ = 	snop  }
0x4: {  	_ = 	snop  }
0x5: {  	_ = 	snop  }
0x6: {  	_ = 	snop  }
0x7: {  	_ = 	snop  }
__scs_overlays_trampoline_lowered:
0x8: {  	[smem:$0x3FAE] =	sst s0  }
0x9: {  	[smem:$0x3FAF] =	sst s1  }
0xa: {  	[smem:$0x3FB0] =	sst s2  }
0xb: {  	[smem:$0x3FB1] =	sst s3  }
0xc: {  	[smem:$0x3FB2] =	sst s4  }
0xd: {  	[smem:$0x3FB3] =	sst s5  }
0xe: {  	[smem:$0x3FB4] =	sst s6  }
0xf: {  	[smem:$0x3FB5] =	sst s7  }
0x10: {  	[smem:$0x3FB6] =	sst s8  }
0x11: {  	[smem:$0x3FB7] =	sst s9;
	s0 =	simm.s32 @!p0 $0x0  }
0x12: {  	s1 =	sld [smem:$0x3F9D];
	s0 =	simm.s32 @p0 $0x1  }
0x13: {  	[smem:$0x3FB8] =	sst s0;
	s0 =	simm.s32 @!p1 $0x0  }
0x14: {  	s2 =	sld [smem:$0x3F9C];
	s0 =	simm.s32 @p1 $0x1  }
0x15: {  	[smem:$0x3FB9] =	sst s0;
	s0 =	simm.s32 @!p2 $0x0  }
0x16: {  	s3 =	sld [smem:$0x3FDB];
	s0 =	simm.s32 @p2 $0x1  }
0x17: {  	s4 =	simm.s32 $0x1BF5;
	[smem:$0x3FBB] =	sst s0  }
0x18: {  	s0 =	sld [smem:$0x3F9E];
	_ =	swait.ge [sflag:s4], $0x0  }
0x19: {  	s7 =	sld [smem:$0x3F9F]  }
0x1a: {  	s8 =	sadd.s32 $0xFFFFE003, lr  }
0x1b: {  	s9 =	sadd.s32 $0xFFFFFEF7, lr;
	s5 =	simm.s32 $0xFFFFFFFF;
	p2 =	slt.u32 s8, $0xFFFFF086  }
0x1c: {  	p1 =	slt.u32 s9, $0xF7A;
	s5 =	simm.s32 @!p2 $0x0  }
0x1d: {  	s5 =	simm.s32 @p1 $0x1;
	p0 =	seq.s32 s7, s2  }
0x1e: {  	s7 =	smul.u32 @!p0 $0xF7A, s2;
	p2 =	seq.s32 @!p0 s5, $0x0  }
0x1f: {  	s9 =	smul.u32 $0xF7A, s1;
	s8 =	simm.s32 @!p0 $0x1BF5;
	p2 =	por !p2, p0  }
0x20: {  	[sflag:s8] =	ssyncset.s32 @!p0 $0xFFFFF086;
	s6 =	sadd.s32 @!p0 s3, s7;
	s7 =	simm.s32 @!p0 $0x108  }
0x21: {  	s3 =	sadd.s32 s3, s9;
	s6 =	sadd.s32 @!p0 $0x88, s6;
	s7 =	simm.s32 @p2 $0x1082  }
0x22: {  	[simem:s7], [sflag:s8] =	dma.local @!p0 [hbm:s6], $0xF7A  }
0x23: {  	s9 =	sor.u32 $0xD0000000, s2;
	s6 =	simm.s32 $0x108;
	_ =	swait.ge @!p0 [sflag:s8], $0x0  }
0x24: {  	s3 =	sadd.s32 $0x88, s3;
	s6 =	simm.s32 @!p1 $0x1082;
	[sflag:s4] =	ssyncset.s32 $0xFFFFF086  }
0x25: {  	[simem:s6], [sflag:s4] =	dma.local [hbm:s3], $0xF7A  }
0x26: {  	[smem:$0x3F9F] =	sst s1;
	(tag) =	ssettag s2;
	_ =	strace s9  }
0x27: {  	s1 =	sld [smem:$0x3FAF]  }
0x28: {  	s2 =	sld [smem:$0x3FB0]  }
0x29: {  	s4 =	sld [smem:$0x3FB2]  }
0x2a: {  	p0 =	seq.s32 s5, $0x0;
	s5 =	sld [smem:$0x3FB3]  }
0x2b: {  	s6 =	sld [smem:$0x3FB4]  }
0x2c: {  	s7 =	sld [smem:$0x3FB5]  }
0x2d: {  	s3 =	simm.s32 $0x108;
	s8 =	sld [smem:$0x3FB6]  }
0x2e: {  	s3 =	simm.s32 @!p0 $0x1082;
	s9 =	sld [smem:$0x3FB7]  }
0x2f: {  	lr =	sadd.s32 s0, s3;
	s0 =	sld [smem:$0x3FAE]  }
0x30: {  	s3 =	sld [smem:$0x3FB1]  }
0x31: {  	[smem:$0x3FBA] =	sst s10  }
0x32: {  	s10 =	sld [smem:$0x3FB8];
	_ =	sdelay $0x3  }
0x33: {  	p0 =	seq.s32 s10, $0x1;
	s10 =	sld [smem:$0x3FBA];
	_ =	sdelay $0x3  }
0x34: {  	[smem:$0x3FBA] =	sst s10  }
0x35: {  	s10 =	sld [smem:$0x3FB9];
	_ =	sdelay $0x3  }
0x36: {  	p1 =	seq.s32 s10, $0x1;
	s10 =	sld [smem:$0x3FBA];
	_ =	sdelay $0x3  }
0x37: {  	[smem:$0x3FBA] =	sst s10  }
0x38: {  	s10 =	sld [smem:$0x3FBB]  }
0x39: {  	_ = 	snop;
	(pc) =	sbr.ind lr, $3  }
0x3a: {  	_ = 	snop  }
0x3b: {  	_ = 	snop  }
0x3c: {  	p2 =	seq.s32 s10, $0x1;
	s10 =	sld [smem:$0x3FBA]  }
0x3d: {  	_ =	shalt  }
0x3e: {  	_ =	shalt  }
0x3f: {  	_ =	shalt  }
0x40: {  	_ =	shalt  }
0x41: {  	_ =	shalt  }
0x42: {  	_ =	shalt  }
0x43: {  	_ =	shalt  }
0x44: {  	_ =	shalt  }
0x45: {  	_ =	shalt  }
0x46: {  	_ =	shalt  }
0x47: {  	_ =	shalt  }
0x48: {  	_ =	shalt  }
0x49: {  	_ =	shalt  }
0x4a: {  	_ =	shalt  }
0x4b: {  	_ =	shalt  }
0x4c: {  	_ =	shalt  }
0x4d: {  	_ =	shalt  }
0x4e: {  	_ =	shalt  }
0x4f: {  	_ =	shalt  }
0x50: {  	_ =	shalt  }
0x51: {  	_ =	shalt  }
0x52: {  	_ =	shalt  }
0x53: {  	_ =	shalt  }
0x54: {  	_ =	shalt  }
0x55: {  	_ =	shalt  }
0x56: {  	_ =	shalt  }
0x57: {  	_ =	shalt  }
0x58: {  	_ =	shalt  }
0x59: {  	_ =	shalt  }
0x5a: {  	_ =	shalt  }
0x5b: {  	_ =	shalt  }
0x5c: {  	_ =	shalt  }
0x5d: {  	_ =	shalt  }
0x5e: {  	_ =	shalt  }
0x5f: {  	_ =	shalt  }
0x60: {  	_ =	shalt  }
0x61: {  	_ =	shalt  }
0x62: {  	_ =	shalt  }
0x63: {  	_ =	shalt  }
0x64: {  	_ =	shalt  }
0x65: {  	_ =	shalt  }
0x66: {  	_ =	shalt  }
0x67: {  	_ =	shalt  }
0x68: {  	_ =	shalt  }
0x69: {  	_ =	shalt  }
0x6a: {  	_ =	shalt  }
0x6b: {  	_ =	shalt  }
0x6c: {  	_ =	shalt  }
0x6d: {  	_ =	shalt  }
0x6e: {  	_ =	shalt  }
0x6f: {  	_ =	shalt  }
0x70: {  	_ =	shalt  }
0x71: {  	_ =	shalt  }
0x72: {  	_ =	shalt  }
0x73: {  	_ =	shalt  }
0x74: {  	_ =	shalt  }
0x75: {  	_ =	shalt  }
0x76: {  	_ =	shalt  }
0x77: {  	_ =	shalt  }
0x78: {  	_ =	shalt  }
0x79: {  	_ =	shalt  }
0x7a: {  	_ =	shalt  }
0x7b: {  	_ =	shalt  }
0x7c: {  	_ =	shalt  }
0x7d: {  	_ =	shalt  }
0x7e: {  	_ =	shalt  }
0x7f: {  	_ =	shalt  }
0x80: {  	_ =	shalt  }
0x81: {  	_ =	shalt  }
0x82: {  	_ =	shalt  }
0x83: {  	_ =	shalt  }
0x84: {  	_ =	shalt  }
0x85: {  	_ =	shalt  }
0x86: {  	_ =	shalt  }
0x87: {  	_ =	shalt  }
.Lfunc_end0:
.L_simem_size_0:
called_computation.1_lowered:
.L_overlay_start_0:
0x88: {  	s2 =	sld [smem:$0x3FD9]  }
0x89: {  	s3 =	sld [smem:$0x3FFE];
	_ =	sdelay $0x1  }
0x8a: {  	s1 =	srdreg.scid  }
0x8b: {  	s0 =	sand.u32 $0x1, s1  }
0x8c: {  	s16 =	sshll.u32 s0, $0xA;
	s2 =	sadd.s32 s3, s2  }
0x8d: {  	s2 =	sadd.s32 s2, s16  }
0x8e: {  	[smem:$0x3FC6] =	sst s2  }
0x8f: {  	_ = 	snop  }
0x90: {  	(tm) =	ssettm $0x1  }
0x91: {  	s17 =	sld [smem:$0x3FFB];
	_ =	sdelay $0x3  }
0x92: {  	_ =	strace s17  }
0x93: {  	s2 =	sld [smem:$0x3FFC];
	_ =	sdelay $0x3  }
0x94: {  	_ =	strace s2  }
0x95: {  	s2 =	sld [smem:$0x3FFD];
	_ =	sdelay $0x3  }
0x96: {  	_ =	strace s2  }
0x97: {  	_ =	strace $0x8FFFFFFF  }
0x98: {  	s18 =	sld [smem:$0x3FDB];
	_ =	sdelay $0x1  }
0x99: {  	s19 =	simm.s32 $_scs_section_size  }
0x9a: {  	s4 =	simm.s32 $_size__tile_overlayer_lowered;
	s5 =	simm.s32 $_tile_overlayer_lowered  }
0x9b: {  	s22 =	simm.s32 $0x1BFF;
	s21 =	sshll.u32 s5, $0x1;
	s2 =	sadd.s32 s19, s18  }
0x9c: {  	s6 =	simm.s32 $0x0;
	s20 =	sshll.u32 s4, $0x1;
	s4 =	sadd.s32 s21, s2  }
0x9d: {  	[timem:s6], [sflag:s22] =	dma.local [hbm:s4], s20  }
0x9e: {  	_ =	swait.ge [sflag:s22], s20  }
0x9f: {  	s3 =	ssub.s32 $0x0, s20;
	[sflag:s22] =	ssyncset.done $0x0  }
0xa0: {  	[sflag:s22] =	ssyncadd.s32 s3;
	_ =	sdelay $0x1  }
0xa1: {  	s23 =	simm.s32 $0x1B8B  }
0xa2: {  	_ =	swait.ge [sflag:s23], $0x1  }
0xa3: {  	[sflag:s23] =	ssyncset.done $0x0  }
0xa4: {  	s25 =	simm.s32 $0x1B8E;
	s24 =	sld [smem:$0x3FFE];
	[sflag:s23] =	ssyncadd.s32 $0xFFFFFFFF  }
0xa5: {  	s26 =	simm.s32 $execute0_lowered;
	[smem:$0x3FD2] =	sst s25  }
0xa6: {  	s4 =	sshll.u32 s26, $0x1;
	_ =	strace $0x80000046;
	[dreg:$0x1] =	wrdreg $0xFFFFFFFF  }
0xa7: {  	s28 =	simm.s32 $_size_execute0_lowered;
	s2 =	sadd.s32 s2, s4;
	[dreg:$0x0] =	wrdreg $0x0  }
0xa8: {  	s4 =	sshll.u32 s28, $0x1;
	[dreg:$0x2] =	wrdreg s2  }
0xa9: {  	[dreg:$0x3] =	wrdreg s4  }
0xaa: {  	[dreg:$0x4] =	wrdreg $0xC0  }
0xab: {  	_ =	task [dreg:s6], $0x5FFFF  }
0xac: {  	[dreg:$0x1] =	wrdreg $0xFFFFFFFF  }
0xad: {  	[dreg:$0x0] =	wrdreg $0x60  }
0xae: {  	[dreg:$0x2] =	wrdreg s24  }
0xaf: {  	[dreg:$0x3] =	wrdreg $0x9  }
0xb0: {  	_ =	task.clear_ibuf [dreg:s6], $0x4FFFF;
	_ =	strace $0x90000046  }
0xb1: {  	s29 =	simm.s32 $0x9;
	_ =	strace $0x80000048  }
0xb2: {  	_ =	swait.ge [sflag:s29], $0x1  }
0xb3: {  	[sflag:s29] =	ssyncadd.s32 $0xFFFFFFFF  }
0xb4: {  	_ =	strace $0x90000048  }
0xb5: {  	_ =	sfence  }
0xb6: {  	s30 =	sld [smem:$0x0];
	_ =	sdelay $0x2  }
0xb7: {  	s31 =	sshll.u32 s1, $0xD;
	s1 =	sshrl.u32 s1, $0x2  }
0xb8: {  	s3 =	sand.u32 $0x4000, s31;
	s1 =	sadd.s32 s1, s30  }
0xb9: {  	s0 =	sor.u32 s3, s0;
	s1 =	sshll.u32 s1, $0x11  }
0xba: {  	s0 =	sor.u32 s1, s0  }
0xbb: {  	s0 =	sadd.s32 $0x8F2B, s0  }
0xbc: {  	[sflag:s0] =	ssyncadd.remote.s32 $0x1  }
0xbd: {  	_ =	sfence.sel $0xFFFF  }
0xbe: {  	[dreg:$0x0] =	wrdreg $0xFFFFFFFF;
	(pc) =	sbr.abs _section_cstart, $3  }
0xbf: {  	[dreg:$0x1] =	wrdreg $0xFFFFFFFF  }
0xc0: {  	_ =	task.clear_ibuf [dreg:s6], $0x2FFFF;
	_ =	strace $0x9FFFFFFF  }
0xc1: {  	(tm) =	ssettm $0x7FFFFFFF  }
tec
execute0_lowered:
.L_overlay_start_1:
0x0: {  	(tag) =	ssettag $0x1  }
0x1: {  	s0 =	srdreg.scid  }
0x2: {  	s12 =	stileid.u32;
	s1 =	rddreg [dreg:$0x0]  }
0x3: {  	s2 =	simm.s32 $0x0;
	s13 =	simm.s32 $0x3900;
	s14 =	simm.s32 $0x3D00  }
0x4: {  	s15 =	simm.s32 $0x4500;
	s16 =	simm.s32 $0x4900;
	s10 =	smul.u32 $0x12C0000, s12  }
0x5: {  	s17 =	simm.s32 $0x5100;
	s18 =	simm.s32 $0x5500;
	s21 =	smul.u32 $0x1900, s12  }
0x6: {  	s30 =	simm.s32 $0x8500;
	s0 =	sand.u32 $0x1, s0;
	s24 =	smul.u32 $0x258000, s12  }
0x7: {  	s31 =	simm.s32 $0xC100;
	s28 =	simm.s32 $0x2;
	s19 =	smul.u32 $0x960000, s0  }
0x8: {  	s3 =	sshll.u32 s12, $0x1;
	[smem:$0x7FF] =	sst s2;
	s22 =	smul.u32 $0xC80, s0  }
0x9: {  	s3 =	sor.u32 s0, s3;
	s7 =	ssub.s32 $0x2, s0;
	s0 =	smul.u32 $0x12C000, s0  }
0xa: {  	s6 =	sadd.s32 $0x800, s1;
	s8 =	sadd.s32 $0x4AD800, s1;
	s4 =	smul.u32 $0x6400, s3  }
0xb: {  	s12 =	simm.s32 $0x8100;
	_ =	strace $0x80000047;
	s5 =	smul.u32 $0xC80, s3  }
0xc: {  	s3 =	sadd.s32 $0x19800, s1;
	s9 =	sshrl.u32 s7, $0x1;
	s26 =	sadd.s32 s24, s8  }
0xd: {  	s24 =	simm.s32 $0x7500;
	s7 =	ssub.s32 s7, s9;
	s9 =	sadd.s32 s19, s10  }
0xe: {  	s0 =	sadd.s32 s0, s26;
	s19 =	simm.s32 $0x100;
	s10 =	simm.s32 $0x3100  }
0xf: {  	s26 =	simm.s32 $0x1;
	s4 =	sshrl.u32 s4, $0x3;
	s11 =	sadd.s32 s6, s5  }
0x10: {  	s5 =	sadd.s32 $0x19900, s1;
	s9 =	sor.u32 $0xC000, s9;
	s1 =	sadd.s32 s21, s6  }
0x11: {  	s29 =	smax.u32 s7, $0x1;
	[dreg:$0x3] =	wrdreg s0;
	s0 =	simm.s32 $0xD00  }
0x12: {  	s6 =	simm.s32 $0x1500;
	s7 =	simm.s32 $0x1900;
	s21 =	simm.s32 $0x6100  }
0x13: {  	s4 =	smul.u32 $0x180, s4;
	[dreg:$0x4] =	wrdreg s11;
	s20 =	sadd.s32 $0x10, s11  }
0x14: {  	s25 =	sshrl.u32 s9, $0x3;
	s1 =	sadd.s32 s22, s1;
	[dreg:$0x8] =	wrdreg s29  }
0x15: {  	s11 =	simm.s32 $0x3;
	s29 =	simm.s32 $0x0;
	[dreg:$0x5] =	wrdreg s20  }
0x16: {  	s1 =	sadd.s32 $0x30, s1;
	[dreg:$0xa] =	wrdreg s29;
	s4 =	sadd.s32 s8, s4  }
0x17: {  	s9 =	simm.s32 $0x2D00;
	[dreg:$0x9] =	wrdreg s1;
	s23 =	sadd.s32 $0x129000, s4  }
0x18: {  	s22 =	simm.s32 $0x6900;
	s4 =	sadd.s32 $0x12A800, s4;
	[dreg:$0x6] =	wrdreg s23  }
0x19: {  	v2 =	vlaneseq.u32;
	s20 =	simm.s32 $0x5D00;
	s1 =	simm.s32 $0x900;
	[dreg:$0x7] =	wrdreg s4  }
0x1a: {  	vm0 =	vmmov $0xffff;
	vm1 =	vmmov $0xff;
	v1 =	vshrl.u32 v2, $0x3;
	s4 =	sadd.s32 s25, s8;
	s8 =	simm.s32 $0x2100;
	s23 =	simm.s32 $0x6D00  }
0x1b: {  	v0 =	vand.u32 $0x7, v2;
	v2 =	vor.u32 $0x8, v2;
	v1 =	vmul.u32 $0x8, v1;
	s25 =	simm.s32 $0x7900;
	[dreg:$0x2] =	wrdreg s4;
	s4 =	simm.s32 $0x2500  }
.LBB2_1:
0x1c: {  	s29 =	rddreg [dreg:$0x4]  }
0x1d: {  	[tilespmem:s2], [sflag:$0x3] =	stream.linear.gather [hbm4b:s29+s2], $0x80, $0x38;
	[tilespmem:$0x18100] =	vst v63  }
0x1e: {  	_ =	swait.ge [sflag:s11], $0x80  }
0x1f: {  	[sflag:s11] =	ssyncset.done $0x0  }
0x20: {  	[sflag:s11] =	ssyncadd.s32 $0xFFFFFF80  }
0x21: {  	v3 =	vld [tilespmem:$0x0];
	_ =	sdelay $0x4  }
0x22: {  	v4 =	vshrl.u32 v3, $0x3  }
0x23: {  	v4 =	vmul.u32 $0x18, v4  }
0x24: {  	v3 =	vand.u32 $0x7, v3  }
0x25: {  	v3 =	vor.u32 v3, v4  }
0x26: {  	v4 =	vperm.xlane v3, v0;
	_ =	sdelay $0x1  }
0x27: {  	v4 =	vadd.s32 v1, v4;
	_ =	sdelay $0x1  }
0x28: {  	v3 =	vperm.xlane v3, v2;
	_ =	sdelay $0x1  }
0x29: {  	v3 =	vadd.s32 v1, v3  }
0x2a: {  	[tilespmem:s19], [sflag:$0x1] =	stream.indirect_vreg.gather [hbm4b:s3+s2], $0x80, v4, vm0, $0xb8;
	[tilespmem:$0x18100] =	vst v63  }
0x2b: {  	_ = 	snop  }
0x2c: {  	[tilespmem:s1], [sflag:$0x1] =	stream.indirect_vreg.gather [hbm4b:s5+s2], $0x80, v4, vm1, $0xb8;
	[tilespmem:$0x18100] =	vst v63  }
0x2d: {  	_ = 	snop  }
0x2e: {  	[tilespmem:s0], [sflag:$0x1] =	stream.indirect_vreg.gather [hbm4b:s3+s2], $0x80, v3, vm0, $0xb8;
	[tilespmem:$0x18100] =	vst v63  }
0x2f: {  	_ = 	snop  }
0x30: {  	[tilespmem:s6], [sflag:$0x1] =	stream.indirect_vreg.gather [hbm4b:s5+s2], $0x80, v3, vm1, $0xb8;
	[tilespmem:$0x18100] =	vst v63  }
0x31: {  	v3 =	vld [tilespmem:$0x10];
	_ =	sdelay $0x4  }
0x32: {  	v49 =	vshrl.u32 v3, $0x3  }
0x33: {  	v4 =	vmul.u32 $0x18, v49  }
0x34: {  	v3 =	vand.u32 $0x7, v3  }
0x35: {  	v3 =	vor.u32 v3, v4  }
0x36: {  	v4 =	vperm.xlane v3, v0;
	_ =	sdelay $0x1  }
0x37: {  	v4 =	vadd.s32 v1, v4;
	_ =	sdelay $0x1  }
0x38: {  	v3 =	vperm.xlane v3, v2;
	_ =	sdelay $0x1  }
0x39: {  	v3 =	vadd.s32 v1, v3  }
0x3a: {  	[tilespmem:s7], [sflag:$0x1] =	stream.indirect_vreg.gather [hbm4b:s3+s2], $0x80, v4, vm0, $0xb8;
	[tilespmem:$0x18100] =	vst v63  }
0x3b: {  	_ = 	snop  }
0x3c: {  	[tilespmem:s8], [sflag:$0x1] =	stream.indirect_vreg.gather [hbm4b:s5+s2], $0x80, v4, vm1, $0xb8;
	[tilespmem:$0x18100] =	vst v63  }
0x3d: {  	_ = 	snop  }
0x3e: {  	[tilespmem:s4], [sflag:$0x1] =	stream.indirect_vreg.gather [hbm4b:s3+s2], $0x80, v3, vm0, $0xb8;
	[tilespmem:$0x18100] =	vst v63  }
0x3f: {  	_ = 	snop  }
0x40: {  	[tilespmem:s9], [sflag:$0x1] =	stream.indirect_vreg.gather [hbm4b:s5+s2], $0x80, v3, vm1, $0xb8;
	[tilespmem:$0x18100] =	vst v63  }
0x41: {  	v3 =	vld [tilespmem:$0x20];
	_ =	sdelay $0x4  }
0x42: {  	v50 =	vshrl.u32 v3, $0x3  }
0x43: {  	v4 =	vmul.u32 $0x18, v50  }
0x44: {  	v3 =	vand.u32 $0x7, v3  }
0x45: {  	v3 =	vor.u32 v3, v4  }
0x46: {  	v4 =	vperm.xlane v3, v0;
	_ =	sdelay $0x1  }
0x47: {  	v4 =	vadd.s32 v1, v4;
	_ =	sdelay $0x1  }
0x48: {  	v3 =	vperm.xlane v3, v2;
	_ =	sdelay $0x1  }
0x49: {  	v3 =	vadd.s32 v1, v3  }
0x4a: {  	[tilespmem:s10], [sflag:$0x1] =	stream.indirect_vreg.gather [hbm4b:s3+s2], $0x80, v4, vm0, $0xb8;
	[tilespmem:$0x18100] =	vst v63  }
0x4b: {  	_ = 	snop  }
0x4c: {  	[tilespmem:s13], [sflag:$0x1] =	stream.indirect_vreg.gather [hbm4b:s5+s2], $0x80, v4, vm1, $0xb8;
	[tilespmem:$0x18100] =	vst v63  }
0x4d: {  	_ = 	snop  }
0x4e: {  	[tilespmem:s14], [sflag:$0x1] =	stream.indirect_vreg.gather [hbm4b:s3+s2], $0x80, v3, vm0, $0xb8;
	[tilespmem:$0x18100] =	vst v63  }
0x4f: {  	_ = 	snop  }
0x50: {  	[tilespmem:s15], [sflag:$0x1] =	stream.indirect_vreg.gather [hbm4b:s5+s2], $0x80, v3, vm1, $0xb8;
	[tilespmem:$0x18100] =	vst v63  }
0x51: {  	v3 =	vld [tilespmem:$0x30];
	_ =	sdelay $0x4  }
0x52: {  	v51 =	vshrl.u32 v3, $0x3  }
0x53: {  	v4 =	vmul.u32 $0x18, v51  }
0x54: {  	v3 =	vand.u32 $0x7, v3  }
0x55: {  	v3 =	vor.u32 v3, v4  }
0x56: {  	v4 =	vperm.xlane v3, v0;
	_ =	sdelay $0x1  }
0x57: {  	v4 =	vadd.s32 v1, v4;
	_ =	sdelay $0x1  }
0x58: {  	v3 =	vperm.xlane v3, v2;
	_ =	sdelay $0x1  }
0x59: {  	v3 =	vadd.s32 v1, v3  }
0x5a: {  	[tilespmem:s16], [sflag:$0x1] =	stream.indirect_vreg.gather [hbm4b:s3+s2], $0x80, v4, vm0, $0xb8;
	[tilespmem:$0x18100] =	vst v63  }
0x5b: {  	_ = 	snop  }
0x5c: {  	[tilespmem:s17], [sflag:$0x1] =	stream.indirect_vreg.gather [hbm4b:s5+s2], $0x80, v4, vm1, $0xb8;
	[tilespmem:$0x18100] =	vst v63  }
0x5d: {  	_ = 	snop  }
0x5e: {  	[tilespmem:s18], [sflag:$0x1] =	stream.indirect_vreg.gather [hbm4b:s3+s2], $0x80, v3, vm0, $0xb8;
	[tilespmem:$0x18100] =	vst v63  }
0x5f: {  	_ = 	snop  }
0x60: {  	[tilespmem:s20], [sflag:$0x1] =	stream.indirect_vreg.gather [hbm4b:s5+s2], $0x80, v3, vm1, $0xb8;
	[tilespmem:$0x18100] =	vst v63  }
0x61: {  	v3 =	vld [tilespmem:$0x40];
	_ =	sdelay $0x4  }
0x62: {  	v52 =	vshrl.u32 v3, $0x3  }
0x63: {  	v4 =	vmul.u32 $0x18, v52  }
0x64: {  	v3 =	vand.u32 $0x7, v3  }
0x65: {  	v3 =	vor.u32 v3, v4  }
0x66: {  	v4 =	vperm.xlane v3, v0;
	_ =	sdelay $0x1  }
0x67: {  	v4 =	vadd.s32 v1, v4;
	_ =	sdelay $0x1  }
0x68: {  	v3 =	vperm.xlane v3, v2;
	_ =	sdelay $0x1  }
0x69: {  	v3 =	vadd.s32 v1, v3  }
0x6a: {  	[tilespmem:s21], [sflag:$0x1] =	stream.indirect_vreg.gather [hbm4b:s3+s2], $0x80, v4, vm0, $0xb8;
	[tilespmem:$0x18100] =	vst v63  }
0x6b: {  	_ = 	snop  }
0x6c: {  	[tilespmem:s22], [sflag:$0x1] =	stream.indirect_vreg.gather [hbm4b:s5+s2], $0x80, v4, vm1, $0xb8;
	[tilespmem:$0x18100] =	vst v63  }
0x6d: {  	_ = 	snop  }
0x6e: {  	[tilespmem:s23], [sflag:$0x1] =	stream.indirect_vreg.gather [hbm4b:s3+s2], $0x80, v3, vm0, $0xb8;
	[tilespmem:$0x18100] =	vst v63  }
0x6f: {  	_ = 	snop  }
0x70: {  	[tilespmem:s24], [sflag:$0x1] =	stream.indirect_vreg.gather [hbm4b:s5+s2], $0x80, v3, vm1, $0xb8;
	[tilespmem:$0x18100] =	vst v63  }
0x71: {  	v3 =	vld [tilespmem:$0x50];
	_ =	sdelay $0x4  }
0x72: {  	v53 =	vshrl.u32 v3, $0x3  }
0x73: {  	v4 =	vmul.u32 $0x18, v53  }
0x74: {  	v3 =	vand.u32 $0x7, v3  }
0x75: {  	v3 =	vor.u32 v3, v4  }
0x76: {  	v4 =	vperm.xlane v3, v0;
	_ =	sdelay $0x1  }
0x77: {  	v4 =	vadd.s32 v1, v4;
	_ =	sdelay $0x1  }
0x78: {  	v3 =	vperm.xlane v3, v2;
	_ =	sdelay $0x1  }
0x79: {  	v3 =	vadd.s32 v1, v3  }
0x7a: {  	[tilespmem:s25], [sflag:$0x1] =	stream.indirect_vreg.gather [hbm4b:s3+s2], $0x80, v4, vm0, $0xb8;
	[tilespmem:$0x18100] =	vst v63  }
0x7b: {  	_ = 	snop  }
0x7c: {  	[tilespmem:s12], [sflag:$0x1] =	stream.indirect_vreg.gather [hbm4b:s5+s2], $0x80, v4, vm1, $0xb8;
	[tilespmem:$0x18100] =	vst v63  }
0x7d: {  	_ = 	snop  }
0x7e: {  	[tilespmem:s30], [sflag:$0x1] =	stream.indirect_vreg.gather [hbm4b:s3+s2], $0x80, v3, vm0, $0xb8;
	[tilespmem:$0x18100] =	vst v63  }
0x7f: {  	s12 =	simm.s32 $0x8D00  }
0x80: {  	[tilespmem:s12], [sflag:$0x1] =	stream.indirect_vreg.gather [hbm4b:s5+s2], $0x80, v3, vm1, $0xb8;
	[tilespmem:$0x18100] =	vst v63  }
0x81: {  	v3 =	vld [tilespmem:$0x60];
	_ =	sdelay $0x4  }
0x82: {  	v54 =	vshrl.u32 v3, $0x3  }
0x83: {  	v4 =	vmul.u32 $0x18, v54  }
0x84: {  	v3 =	vand.u32 $0x7, v3  }
0x85: {  	v3 =	vor.u32 v3, v4  }
0x86: {  	v4 =	vperm.xlane v3, v0;
	_ =	sdelay $0x1  }
0x87: {  	v4 =	vadd.s32 v1, v4;
	_ =	sdelay $0x1  }
0x88: {  	v3 =	vperm.xlane v3, v2;
	_ =	sdelay $0x1  }
0x89: {  	s13 =	simm.s32 $0x9100;
	v3 =	vadd.s32 v1, v3  }
0x8a: {  	[tilespmem:s13], [sflag:$0x1] =	stream.indirect_vreg.gather [hbm4b:s3+s2], $0x80, v4, vm0, $0xb8;
	[tilespmem:$0x18100] =	vst v63  }
0x8b: {  	s14 =	simm.s32 $0x9900  }
0x8c: {  	[tilespmem:s14], [sflag:$0x1] =	stream.indirect_vreg.gather [hbm4b:s5+s2], $0x80, v4, vm1, $0xb8;
	[tilespmem:$0x18100] =	vst v63  }
0x8d: {  	s15 =	simm.s32 $0x9D00  }
0x8e: {  	[tilespmem:s15], [sflag:$0x1] =	stream.indirect_vreg.gather [hbm4b:s3+s2], $0x80, v3, vm0, $0xb8;
	[tilespmem:$0x18100] =	vst v63  }
0x8f: {  	s16 =	simm.s32 $0xA500  }
0x90: {  	[tilespmem:s16], [sflag:$0x1] =	stream.indirect_vreg.gather [hbm4b:s5+s2], $0x80, v3, vm1, $0xb8;
	[tilespmem:$0x18100] =	vst v63  }
0x91: {  	v3 =	vld [tilespmem:$0x70];
	_ =	sdelay $0x4  }
0x92: {  	v55 =	vshrl.u32 v3, $0x3  }
0x93: {  	v4 =	vmul.u32 $0x18, v55  }
0x94: {  	v3 =	vand.u32 $0x7, v3  }
0x95: {  	v3 =	vor.u32 v3, v4  }
0x96: {  	v4 =	vperm.xlane v3, v0;
	_ =	sdelay $0x1  }
0x97: {  	v4 =	vadd.s32 v1, v4;
	_ =	sdelay $0x1  }
0x98: {  	v3 =	vperm.xlane v3, v2;
	_ =	sdelay $0x1  }
0x99: {  	s17 =	simm.s32 $0xA900;
	v3 =	vadd.s32 v1, v3  }
0x9a: {  	[tilespmem:s17], [sflag:$0x1] =	stream.indirect_vreg.gather [hbm4b:s3+s2], $0x80, v4, vm0, $0xb8;
	[tilespmem:$0x18100] =	vst v63  }
0x9b: {  	s18 =	simm.s32 $0xB100  }
0x9c: {  	[tilespmem:s18], [sflag:$0x1] =	stream.indirect_vreg.gather [hbm4b:s5+s2], $0x80, v4, vm1, $0xb8;
	[tilespmem:$0x18100] =	vst v63  }
0x9d: {  	s19 =	simm.s32 $0xB500  }
0x9e: {  	[tilespmem:s19], [sflag:$0x1] =	stream.indirect_vreg.gather [hbm4b:s3+s2], $0x80, v3, vm0, $0xb8;
	[tilespmem:$0x18100] =	vst v63  }
0x9f: {  	s20 =	simm.s32 $0xBD00  }
0xa0: {  	[tilespmem:s20], [sflag:$0x1] =	stream.indirect_vreg.gather [hbm4b:s5+s2], $0x80, v3, vm1, $0xb8;
	[tilespmem:$0x18100] =	vst v63  }
0xa1: {  	s29 =	rddreg [dreg:$0x5];
	s21 =	simm.s32 $0x80  }
0xa2: {  	[tilespmem:s21], [sflag:$0x3] =	stream.linear.gather [hbm4b:s29+s2], $0x80, $0x38;
	[tilespmem:$0x18100] =	vst v63  }
0xa3: {  	_ =	swait.ge [sflag:s11], $0x80  }
0xa4: {  	[sflag:s11] =	ssyncset.done $0x0  }
0xa5: {  	[sflag:s11] =	ssyncadd.s32 $0xFFFFFF80  }
0xa6: {  	v3 =	vld [tilespmem:$0x80];
	_ =	sdelay $0x4  }
0xa7: {  	v56 =	vshrl.u32 v3, $0x3  }
0xa8: {  	v4 =	vmul.u32 $0x18, v56  }
0xa9: {  	v3 =	vand.u32 $0x7, v3  }
0xaa: {  	v3 =	vor.u32 v3, v4  }
0xab: {  	v4 =	vperm.xlane v3, v0;
	_ =	sdelay $0x1  }
0xac: {  	v4 =	vadd.s32 v1, v4;
	_ =	sdelay $0x1  }
0xad: {  	v3 =	vperm.xlane v3, v2;
	_ =	sdelay $0x1  }
0xae: {  	v3 =	vadd.s32 v1, v3  }
0xaf: {  	[tilespmem:s31], [sflag:$0x2] =	stream.indirect_vreg.gather [hbm4b:s3+s2], $0x80, v4, vm0, $0xb8;
	[tilespmem:$0x18100] =	vst v63  }
0xb0: {  	s22 =	simm.s32 $0xC900  }
0xb1: {  	[tilespmem:s22], [sflag:$0x2] =	stream.indirect_vreg.gather [hbm4b:s5+s2], $0x80, v4, vm1, $0xb8;
	[tilespmem:$0x18100] =	vst v63  }
0xb2: {  	s23 =	simm.s32 $0xCD00  }
0xb3: {  	[tilespmem:s23], [sflag:$0x2] =	stream.indirect_vreg.gather [hbm4b:s3+s2], $0x80, v3, vm0, $0xb8;
	[tilespmem:$0x18100] =	vst v63  }
0xb4: {  	s24 =	simm.s32 $0xD500  }
0xb5: {  	[tilespmem:s24], [sflag:$0x2] =	stream.indirect_vreg.gather [hbm4b:s5+s2], $0x80, v3, vm1, $0xb8;
	[tilespmem:$0x18100] =	vst v63  }
0xb6: {  	v3 =	vld [tilespmem:$0x90];
	_ =	sdelay $0x4  }
0xb7: {  	v57 =	vshrl.u32 v3, $0x3  }
0xb8: {  	v4 =	vmul.u32 $0x18, v57  }
0xb9: {  	v3 =	vand.u32 $0x7, v3  }
0xba: {  	v3 =	vor.u32 v3, v4  }
0xbb: {  	v4 =	vperm.xlane v3, v0;
	_ =	sdelay $0x1  }
0xbc: {  	v4 =	vadd.s32 v1, v4;
	_ =	sdelay $0x1  }
0xbd: {  	v3 =	vperm.xlane v3, v2;
	_ =	sdelay $0x1  }
0xbe: {  	s25 =	simm.s32 $0xD900;
	v3 =	vadd.s32 v1, v3  }
0xbf: {  	[tilespmem:s25], [sflag:$0x2] =	stream.indirect_vreg.gather [hbm4b:s3+s2], $0x80, v4, vm0, $0xb8;
	[tilespmem:$0x18100] =	vst v63  }
0xc0: {  	s31 =	simm.s32 $0xE100  }
0xc1: {  	[tilespmem:s31], [sflag:$0x2] =	stream.indirect_vreg.gather [hbm4b:s5+s2], $0x80, v4, vm1, $0xb8;
	[tilespmem:$0x18100] =	vst v63  }
0xc2: {  	s1 =	simm.s32 $0xE500  }
0xc3: {  	[tilespmem:s1], [sflag:$0x2] =	stream.indirect_vreg.gather [hbm4b:s3+s2], $0x80, v3, vm0, $0xb8;
	[tilespmem:$0x18100] =	vst v63  }
0xc4: {  	s4 =	simm.s32 $0xED00  }
0xc5: {  	[tilespmem:s4], [sflag:$0x2] =	stream.indirect_vreg.gather [hbm4b:s5+s2], $0x80, v3, vm1, $0xb8;
	[tilespmem:$0x18100] =	vst v63  }
0xc6: {  	v3 =	vld [tilespmem:$0xA0];
	_ =	sdelay $0x4  }
0xc7: {  	v58 =	vshrl.u32 v3, $0x3  }
0xc8: {  	v4 =	vmul.u32 $0x18, v58  }
0xc9: {  	v3 =	vand.u32 $0x7, v3  }
0xca: {  	v3 =	vor.u32 v3, v4  }
0xcb: {  	v4 =	vperm.xlane v3, v0;
	_ =	sdelay $0x1  }
0xcc: {  	v4 =	vadd.s32 v1, v4;
	_ =	sdelay $0x1  }
0xcd: {  	v3 =	vperm.xlane v3, v2;
	_ =	sdelay $0x1  }
0xce: {  	s6 =	simm.s32 $0xF100;
	v3 =	vadd.s32 v1, v3  }
0xcf: {  	[tilespmem:s6], [sflag:$0x2] =	stream.indirect_vreg.gather [hbm4b:s3+s2], $0x80, v4, vm0, $0xb8;
	[tilespmem:$0x18100] =	vst v63  }
0xd0: {  	s7 =	simm.s32 $0xF900  }
0xd1: {  	[tilespmem:s7], [sflag:$0x2] =	stream.indirect_vreg.gather [hbm4b:s5+s2], $0x80, v4, vm1, $0xb8;
	[tilespmem:$0x18100] =	vst v63  }
0xd2: {  	s8 =	simm.s32 $0xFD00  }
0xd3: {  	[tilespmem:s8], [sflag:$0x2] =	stream.indirect_vreg.gather [hbm4b:s3+s2], $0x80, v3, vm0, $0xb8;
	[tilespmem:$0x18100] =	vst v63  }
0xd4: {  	s9 =	simm.s32 $0x10500  }
0xd5: {  	[tilespmem:s9], [sflag:$0x2] =	stream.indirect_vreg.gather [hbm4b:s5+s2], $0x80, v3, vm1, $0xb8;
	[tilespmem:$0x18100] =	vst v63  }
0xd6: {  	v3 =	vld [tilespmem:$0xB0];
	_ =	sdelay $0x4  }
0xd7: {  	v59 =	vshrl.u32 v3, $0x3  }
0xd8: {  	v4 =	vmul.u32 $0x18, v59  }
0xd9: {  	v3 =	vand.u32 $0x7, v3  }
0xda: {  	v3 =	vor.u32 v3, v4  }
0xdb: {  	v4 =	vperm.xlane v3, v0;
	_ =	sdelay $0x1  }
0xdc: {  	v4 =	vadd.s32 v1, v4;
	_ =	sdelay $0x1  }
0xdd: {  	v3 =	vperm.xlane v3, v2;
	_ =	sdelay $0x1  }
0xde: {  	s10 =	simm.s32 $0x10900;
	v3 =	vadd.s32 v1, v3  }
0xdf: {  	[tilespmem:s10], [sflag:$0x2] =	stream.indirect_vreg.gather [hbm4b:s3+s2], $0x80, v4, vm0, $0xb8;
	[tilespmem:$0x18100] =	vst v63  }
0xe0: {  	s12 =	simm.s32 $0x11100  }
0xe1: {  	[tilespmem:s12], [sflag:$0x2] =	stream.indirect_vreg.gather [hbm4b:s5+s2], $0x80, v4, vm1, $0xb8;
	[tilespmem:$0x18100] =	vst v63  }
0xe2: {  	s13 =	simm.s32 $0x11500  }
0xe3: {  	[tilespmem:s13], [sflag:$0x2] =	stream.indirect_vreg.gather [hbm4b:s3+s2], $0x80, v3, vm0, $0xb8;
	[tilespmem:$0x18100] =	vst v63  }
0xe4: {  	s14 =	simm.s32 $0x11D00  }
0xe5: {  	[tilespmem:s14], [sflag:$0x2] =	stream.indirect_vreg.gather [hbm4b:s5+s2], $0x80, v3, vm1, $0xb8;
	[tilespmem:$0x18100] =	vst v63  }
0xe6: {  	v3 =	vld [tilespmem:$0xC0];
	_ =	sdelay $0x4  }
0xe7: {  	v60 =	vshrl.u32 v3, $0x3  }
0xe8: {  	v4 =	vmul.u32 $0x18, v60  }
0xe9: {  	v3 =	vand.u32 $0x7, v3  }
0xea: {  	v3 =	vor.u32 v3, v4  }
0xeb: {  	v4 =	vperm.xlane v3, v0;
	_ =	sdelay $0x1  }
0xec: {  	v4 =	vadd.s32 v1, v4;
	_ =	sdelay $0x1  }
0xed: {  	v3 =	vperm.xlane v3, v2;
	_ =	sdelay $0x1  }
0xee: {  	s15 =	simm.s32 $0x12100;
	v3 =	vadd.s32 v1, v3  }
0xef: {  	[tilespmem:s15], [sflag:$0x2] =	stream.indirect_vreg.gather [hbm4b:s3+s2], $0x80, v4, vm0, $0xb8;
	[tilespmem:$0x18100] =	vst v63  }
0xf0: {  	s16 =	simm.s32 $0x12900  }
0xf1: {  	[tilespmem:s16], [sflag:$0x2] =	stream.indirect_vreg.gather [hbm4b:s5+s2], $0x80, v4, vm1, $0xb8;
	[tilespmem:$0x18100] =	vst v63  }
0xf2: {  	s17 =	simm.s32 $0x12D00  }
0xf3: {  	[tilespmem:s17], [sflag:$0x2] =	stream.indirect_vreg.gather [hbm4b:s3+s2], $0x80, v3, vm0, $0xb8;
	[tilespmem:$0x18100] =	vst v63  }
0xf4: {  	s18 =	simm.s32 $0x13500  }
0xf5: {  	[tilespmem:s18], [sflag:$0x2] =	stream.indirect_vreg.gather [hbm4b:s5+s2], $0x80, v3, vm1, $0xb8;
	[tilespmem:$0x18100] =	vst v63  }
0xf6: {  	v3 =	vld [tilespmem:$0xD0];
	_ =	sdelay $0x4  }
0xf7: {  	v61 =	vshrl.u32 v3, $0x3  }
0xf8: {  	v4 =	vmul.u32 $0x18, v61  }
0xf9: {  	v3 =	vand.u32 $0x7, v3  }
0xfa: {  	v3 =	vor.u32 v3, v4  }
0xfb: {  	v4 =	vperm.xlane v3, v0;
	_ =	sdelay $0x1  }
0xfc: {  	v4 =	vadd.s32 v1, v4;
	_ =	sdelay $0x1  }
0xfd: {  	v3 =	vperm.xlane v3, v2;
	_ =	sdelay $0x1  }
0xfe: {  	s19 =	simm.s32 $0x13900;
	v3 =	vadd.s32 v1, v3  }
0xff: {  	[tilespmem:s19], [sflag:$0x2] =	stream.indirect_vreg.gather [hbm4b:s3+s2], $0x80, v4, vm0, $0xb8;
	[tilespmem:$0x18100] =	vst v63  }
0x100: {  	s20 =	simm.s32 $0x14100  }
0x101: {  	[tilespmem:s20], [sflag:$0x2] =	stream.indirect_vreg.gather [hbm4b:s5+s2], $0x80, v4, vm1, $0xb8;
	[tilespmem:$0x18100] =	vst v63  }
0x102: {  	s21 =	simm.s32 $0x14500  }
0x103: {  	[tilespmem:s21], [sflag:$0x2] =	stream.indirect_vreg.gather [hbm4b:s3+s2], $0x80, v3, vm0, $0xb8;
	[tilespmem:$0x18100] =	vst v63  }
0x104: {  	s22 =	simm.s32 $0x14D00  }
0x105: {  	[tilespmem:s22], [sflag:$0x2] =	stream.indirect_vreg.gather [hbm4b:s5+s2], $0x80, v3, vm1, $0xb8;
	[tilespmem:$0x18100] =	vst v63  }
0x106: {  	v3 =	vld [tilespmem:$0xE0];
	_ =	sdelay $0x4  }
0x107: {  	v62 =	vshrl.u32 v3, $0x3  }
0x108: {  	v4 =	vmul.u32 $0x18, v62  }
0x109: {  	v3 =	vand.u32 $0x7, v3  }
0x10a: {  	v3 =	vor.u32 v3, v4  }
0x10b: {  	v4 =	vperm.xlane v3, v0;
	_ =	sdelay $0x1  }
0x10c: {  	v4 =	vadd.s32 v1, v4;
	_ =	sdelay $0x1  }
0x10d: {  	v3 =	vperm.xlane v3, v2;
	_ =	sdelay $0x1  }
0x10e: {  	s23 =	simm.s32 $0x15100;
	v3 =	vadd.s32 v1, v3  }
0x10f: {  	[tilespmem:s23], [sflag:$0x2] =	stream.indirect_vreg.gather [hbm4b:s3+s2], $0x80, v4, vm0, $0xb8;
	[tilespmem:$0x18100] =	vst v63  }
0x110: {  	s24 =	simm.s32 $0x15900  }
0x111: {  	[tilespmem:s24], [sflag:$0x2] =	stream.indirect_vreg.gather [hbm4b:s5+s2], $0x80, v4, vm1, $0xb8;
	[tilespmem:$0x18100] =	vst v63  }
0x112: {  	s25 =	simm.s32 $0x15D00  }
0x113: {  	[tilespmem:s25], [sflag:$0x2] =	stream.indirect_vreg.gather [hbm4b:s3+s2], $0x80, v3, vm0, $0xb8;
	[tilespmem:$0x18100] =	vst v63  }
0x114: {  	s31 =	simm.s32 $0x16500  }
0x115: {  	[tilespmem:s31], [sflag:$0x2] =	stream.indirect_vreg.gather [hbm4b:s5+s2], $0x80, v3, vm1, $0xb8;
	[tilespmem:$0x18100] =	vst v63  }
0x116: {  	v3 =	vld [tilespmem:$0xF0];
	_ =	sdelay $0x4  }
0x117: {  	v63 =	vshrl.u32 v3, $0x3  }
0x118: {  	v4 =	vmul.u32 $0x18, v63  }
0x119: {  	v3 =	vand.u32 $0x7, v3  }
0x11a: {  	v3 =	vor.u32 v3, v4  }
0x11b: {  	v4 =	vperm.xlane v3, v0;
	_ =	sdelay $0x1  }
0x11c: {  	s0 =	simm.s32 $0x8500;
	v4 =	vadd.s32 v1, v4  }
0x11d: {  	s29 =	simm.s32 $0x0;
	s30 =	rddreg [dreg:$0x9];
	s4 =	simm.s32 $0x17500  }
0x11e: {  	s6 =	simm.s32 $0x8D00;
	s7 =	simm.s32 $0x16900;
	s8 =	simm.s32 $0x17100;
	v3 =	vperm.xlane v3, v2  }
0x11f: {  	s9 =	simm.s32 $0x17D00;
	s10 =	simm.s32 $0x3100;
	s12 =	simm.s32 $0x8100  }
0x120: {  	s13 =	simm.s32 $0x3900;
	s14 =	simm.s32 $0x3D00;
	s15 =	simm.s32 $0x4500;
	v3 =	vadd.s32 v1, v3  }
0x121: {  	[tilespmem:s7], [sflag:$0x2] =	stream.indirect_vreg.gather [hbm4b:s3+s2], $0x80, v4, vm0, $0xb8;
	[tilespmem:$0x18100] =	vst v63  }
0x122: {  	s16 =	simm.s32 $0x4900;
	s17 =	simm.s32 $0x5100;
	s18 =	simm.s32 $0x5500  }
0x123: {  	[tilespmem:s8], [sflag:$0x2] =	stream.indirect_vreg.gather [hbm4b:s5+s2], $0x80, v4, vm1, $0xb8;
	[tilespmem:$0x18100] =	vst v63  }
0x124: {  	s20 =	simm.s32 $0x5D00;
	s21 =	simm.s32 $0x6100;
	s22 =	simm.s32 $0x6900  }
0x125: {  	[tilespmem:s4], [sflag:$0x2] =	stream.indirect_vreg.gather [hbm4b:s3+s2], $0x80, v3, vm0, $0xb8;
	[tilespmem:$0x18100] =	vst v63  }
0x126: {  	s23 =	simm.s32 $0x6D00;
	s24 =	simm.s32 $0x7500;
	s25 =	simm.s32 $0x7900  }
0x127: {  	[tilespmem:s9], [sflag:$0x2] =	stream.indirect_vreg.gather [hbm4b:s5+s2], $0x80, v3, vm1, $0xb8;
	[tilespmem:$0x18100] =	vst v63  }
.LBB2_2:
0x128: {  	_ =	swait.ge [sflag:s26], $0xC000  }
0x129: {  	s31 =	rddreg [dreg:$0x3];
	[sflag:s26] =	ssyncset.done $0x0  }
0x12a: {  	s1 =	simm.s32 $0x100;
	[sflag:s26] =	ssyncadd.s32 $0xFFFF4000;
	s31 =	sadd.s32 s29, s31  }
0x12b: {  	[hbm4b:s31+s2] =	stream.linear.scatter [tilespmem:s1], [sflag:$0x3], $0xC000, $0x38;
	[tilespmem:$0x18100] =	vst v63  }
0x12c: {  	_ =	swait.ge [sflag:s11], $0xC000  }
0x12d: {  	[sflag:s11] =	ssyncset.done $0x0  }
0x12e: {  	s31 =	sadd.s32 $0xFFFFFFF0, s30;
	[sflag:s11] =	ssyncadd.s32 $0xFFFF4000  }
0x12f: {  	[tilespmem:s2], [sflag:$0x3] =	stream.linear.gather [hbm4b:s31+s2], $0x80, $0x38;
	[tilespmem:$0x18100] =	vst v63  }
0x130: {  	_ =	swait.ge [sflag:s11], $0x80  }
0x131: {  	[sflag:s11] =	ssyncset.done $0x0  }
0x132: {  	[sflag:s11] =	ssyncadd.s32 $0xFFFFFF80  }
0x133: {  	v3 =	vld [tilespmem:$0x0];
	_ =	sdelay $0x4  }
0x134: {  	v4 =	vshrl.u32 v3, $0x3  }
0x135: {  	v4 =	vmul.u32 $0x18, v4  }
0x136: {  	v3 =	vand.u32 $0x7, v3  }
0x137: {  	v3 =	vor.u32 v3, v4  }
0x138: {  	v4 =	vperm.xlane v3, v0;
	_ =	sdelay $0x1  }
0x139: {  	v4 =	vadd.s32 v1, v4;
	_ =	sdelay $0x1  }
0x13a: {  	v3 =	vperm.xlane v3, v2;
	_ =	sdelay $0x1  }
0x13b: {  	v3 =	vadd.s32 v1, v3  }
0x13c: {  	[tilespmem:s1], [sflag:$0x1] =	stream.indirect_vreg.gather [hbm4b:s3+s2], $0x80, v4, vm0, $0xb8;
	[tilespmem:$0x18100] =	vst v63  }
0x13d: {  	s1 =	simm.s32 $0x900  }
0x13e: {  	[tilespmem:s1], [sflag:$0x1] =	stream.indirect_vreg.gather [hbm4b:s5+s2], $0x80, v4, vm1, $0xb8;
	[tilespmem:$0x18100] =	vst v63  }
0x13f: {  	s1 =	simm.s32 $0xD00  }
0x140: {  	[tilespmem:s1], [sflag:$0x1] =	stream.indirect_vreg.gather [hbm4b:s3+s2], $0x80, v3, vm0, $0xb8;
	[tilespmem:$0x18100] =	vst v63  }
0x141: {  	s1 =	simm.s32 $0x1500  }
0x142: {  	[tilespmem:s1], [sflag:$0x1] =	stream.indirect_vreg.gather [hbm4b:s5+s2], $0x80, v3, vm1, $0xb8;
	[tilespmem:$0x18100] =	vst v63  }
0x143: {  	v3 =	vld [tilespmem:$0x10];
	_ =	sdelay $0x4  }
0x144: {  	v49 =	vshrl.u32 v3, $0x3  }
0x145: {  	v4 =	vmul.u32 $0x18, v49  }
0x146: {  	v3 =	vand.u32 $0x7, v3  }
0x147: {  	v3 =	vor.u32 v3, v4  }
0x148: {  	v4 =	vperm.xlane v3, v0;
	_ =	sdelay $0x1  }
0x149: {  	v4 =	vadd.s32 v1, v4;
	_ =	sdelay $0x1  }
0x14a: {  	v3 =	vperm.xlane v3, v2;
	_ =	sdelay $0x1  }
0x14b: {  	s1 =	simm.s32 $0x1900;
	v3 =	vadd.s32 v1, v3  }
0x14c: {  	[tilespmem:s1], [sflag:$0x1] =	stream.indirect_vreg.gather [hbm4b:s3+s2], $0x80, v4, vm0, $0xb8;
	[tilespmem:$0x18100] =	vst v63  }
0x14d: {  	s1 =	simm.s32 $0x2100  }
0x14e: {  	[tilespmem:s1], [sflag:$0x1] =	stream.indirect_vreg.gather [hbm4b:s5+s2], $0x80, v4, vm1, $0xb8;
	[tilespmem:$0x18100] =	vst v63  }
0x14f: {  	s1 =	simm.s32 $0x2500  }
0x150: {  	[tilespmem:s1], [sflag:$0x1] =	stream.indirect_vreg.gather [hbm4b:s3+s2], $0x80, v3, vm0, $0xb8;
	[tilespmem:$0x18100] =	vst v63  }
0x151: {  	s1 =	simm.s32 $0x2D00  }
0x152: {  	[tilespmem:s1], [sflag:$0x1] =	stream.indirect_vreg.gather [hbm4b:s5+s2], $0x80, v3, vm1, $0xb8;
	[tilespmem:$0x18100] =	vst v63  }
0x153: {  	v3 =	vld [tilespmem:$0x20];
	_ =	sdelay $0x4  }
0x154: {  	v50 =	vshrl.u32 v3, $0x3  }
0x155: {  	v4 =	vmul.u32 $0x18, v50  }
0x156: {  	v3 =	vand.u32 $0x7, v3  }
0x157: {  	v3 =	vor.u32 v3, v4  }
0x158: {  	v4 =	vperm.xlane v3, v0;
	_ =	sdelay $0x1  }
0x159: {  	v4 =	vadd.s32 v1, v4;
	_ =	sdelay $0x1  }
0x15a: {  	v3 =	vperm.xlane v3, v2;
	_ =	sdelay $0x1  }
0x15b: {  	v3 =	vadd.s32 v1, v3  }
0x15c: {  	[tilespmem:s10], [sflag:$0x1] =	stream.indirect_vreg.gather [hbm4b:s3+s2], $0x80, v4, vm0, $0xb8;
	[tilespmem:$0x18100] =	vst v63  }
0x15d: {  	_ = 	snop  }
0x15e: {  	[tilespmem:s13], [sflag:$0x1] =	stream.indirect_vreg.gather [hbm4b:s5+s2], $0x80, v4, vm1, $0xb8;
	[tilespmem:$0x18100] =	vst v63  }
0x15f: {  	_ = 	snop  }
0x160: {  	[tilespmem:s14], [sflag:$0x1] =	stream.indirect_vreg.gather [hbm4b:s3+s2], $0x80, v3, vm0, $0xb8;
	[tilespmem:$0x18100] =	vst v63  }
0x161: {  	_ = 	snop  }
0x162: {  	[tilespmem:s15], [sflag:$0x1] =	stream.indirect_vreg.gather [hbm4b:s5+s2], $0x80, v3, vm1, $0xb8;
	[tilespmem:$0x18100] =	vst v63  }
0x163: {  	v3 =	vld [tilespmem:$0x30];
	_ =	sdelay $0x4  }
0x164: {  	v51 =	vshrl.u32 v3, $0x3  }
0x165: {  	v4 =	vmul.u32 $0x18, v51  }
0x166: {  	v3 =	vand.u32 $0x7, v3  }
0x167: {  	v3 =	vor.u32 v3, v4  }
0x168: {  	v4 =	vperm.xlane v3, v0;
	_ =	sdelay $0x1  }
0x169: {  	v4 =	vadd.s32 v1, v4;
	_ =	sdelay $0x1  }
0x16a: {  	v3 =	vperm.xlane v3, v2;
	_ =	sdelay $0x1  }
0x16b: {  	v3 =	vadd.s32 v1, v3  }
0x16c: {  	[tilespmem:s16], [sflag:$0x1] =	stream.indirect_vreg.gather [hbm4b:s3+s2], $0x80, v4, vm0, $0xb8;
	[tilespmem:$0x18100] =	vst v63  }
0x16d: {  	_ = 	snop  }
0x16e: {  	[tilespmem:s17], [sflag:$0x1] =	stream.indirect_vreg.gather [hbm4b:s5+s2], $0x80, v4, vm1, $0xb8;
	[tilespmem:$0x18100] =	vst v63  }
0x16f: {  	_ = 	snop  }
0x170: {  	[tilespmem:s18], [sflag:$0x1] =	stream.indirect_vreg.gather [hbm4b:s3+s2], $0x80, v3, vm0, $0xb8;
	[tilespmem:$0x18100] =	vst v63  }
0x171: {  	_ = 	snop  }
0x172: {  	[tilespmem:s20], [sflag:$0x1] =	stream.indirect_vreg.gather [hbm4b:s5+s2], $0x80, v3, vm1, $0xb8;
	[tilespmem:$0x18100] =	vst v63  }
0x173: {  	v3 =	vld [tilespmem:$0x40];
	_ =	sdelay $0x4  }
0x174: {  	v52 =	vshrl.u32 v3, $0x3  }
0x175: {  	v4 =	vmul.u32 $0x18, v52  }
0x176: {  	v3 =	vand.u32 $0x7, v3  }
0x177: {  	v3 =	vor.u32 v3, v4  }
0x178: {  	v4 =	vperm.xlane v3, v0;
	_ =	sdelay $0x1  }
0x179: {  	v4 =	vadd.s32 v1, v4;
	_ =	sdelay $0x1  }
0x17a: {  	v3 =	vperm.xlane v3, v2;
	_ =	sdelay $0x1  }
0x17b: {  	v3 =	vadd.s32 v1, v3  }
0x17c: {  	[tilespmem:s21], [sflag:$0x1] =	stream.indirect_vreg.gather [hbm4b:s3+s2], $0x80, v4, vm0, $0xb8;
	[tilespmem:$0x18100] =	vst v63  }
0x17d: {  	_ = 	snop  }
0x17e: {  	[tilespmem:s22], [sflag:$0x1] =	stream.indirect_vreg.gather [hbm4b:s5+s2], $0x80, v4, vm1, $0xb8;
	[tilespmem:$0x18100] =	vst v63  }
0x17f: {  	_ = 	snop  }
0x180: {  	[tilespmem:s23], [sflag:$0x1] =	stream.indirect_vreg.gather [hbm4b:s3+s2], $0x80, v3, vm0, $0xb8;
	[tilespmem:$0x18100] =	vst v63  }
0x181: {  	_ = 	snop  }
0x182: {  	[tilespmem:s24], [sflag:$0x1] =	stream.indirect_vreg.gather [hbm4b:s5+s2], $0x80, v3, vm1, $0xb8;
	[tilespmem:$0x18100] =	vst v63  }
0x183: {  	v3 =	vld [tilespmem:$0x50];
	_ =	sdelay $0x4  }
0x184: {  	v53 =	vshrl.u32 v3, $0x3  }
0x185: {  	v4 =	vmul.u32 $0x18, v53  }
0x186: {  	v3 =	vand.u32 $0x7, v3  }
0x187: {  	v3 =	vor.u32 v3, v4  }
0x188: {  	v4 =	vperm.xlane v3, v0;
	_ =	sdelay $0x1  }
0x189: {  	v4 =	vadd.s32 v1, v4;
	_ =	sdelay $0x1  }
0x18a: {  	v3 =	vperm.xlane v3, v2;
	_ =	sdelay $0x1  }
0x18b: {  	v3 =	vadd.s32 v1, v3  }
0x18c: {  	[tilespmem:s25], [sflag:$0x1] =	stream.indirect_vreg.gather [hbm4b:s3+s2], $0x80, v4, vm0, $0xb8;
	[tilespmem:$0x18100] =	vst v63  }
0x18d: {  	_ = 	snop  }
0x18e: {  	[tilespmem:s12], [sflag:$0x1] =	stream.indirect_vreg.gather [hbm4b:s5+s2], $0x80, v4, vm1, $0xb8;
	[tilespmem:$0x18100] =	vst v63  }
0x18f: {  	_ = 	snop  }
0x190: {  	[tilespmem:s0], [sflag:$0x1] =	stream.indirect_vreg.gather [hbm4b:s3+s2], $0x80, v3, vm0, $0xb8;
	[tilespmem:$0x18100] =	vst v63  }
0x191: {  	_ = 	snop  }
0x192: {  	[tilespmem:s6], [sflag:$0x1] =	stream.indirect_vreg.gather [hbm4b:s5+s2], $0x80, v3, vm1, $0xb8;
	[tilespmem:$0x18100] =	vst v63  }
0x193: {  	v3 =	vld [tilespmem:$0x60];
	_ =	sdelay $0x4  }
0x194: {  	v54 =	vshrl.u32 v3, $0x3  }
0x195: {  	v4 =	vmul.u32 $0x18, v54  }
0x196: {  	v3 =	vand.u32 $0x7, v3  }
0x197: {  	v3 =	vor.u32 v3, v4  }
0x198: {  	v4 =	vperm.xlane v3, v0;
	_ =	sdelay $0x1  }
0x199: {  	v4 =	vadd.s32 v1, v4;
	_ =	sdelay $0x1  }
0x19a: {  	v3 =	vperm.xlane v3, v2;
	_ =	sdelay $0x1  }
0x19b: {  	s1 =	simm.s32 $0x9100;
	v3 =	vadd.s32 v1, v3  }
0x19c: {  	[tilespmem:s1], [sflag:$0x1] =	stream.indirect_vreg.gather [hbm4b:s3+s2], $0x80, v4, vm0, $0xb8;
	[tilespmem:$0x18100] =	vst v63  }
0x19d: {  	s1 =	simm.s32 $0x9900  }
0x19e: {  	[tilespmem:s1], [sflag:$0x1] =	stream.indirect_vreg.gather [hbm4b:s5+s2], $0x80, v4, vm1, $0xb8;
	[tilespmem:$0x18100] =	vst v63  }
0x19f: {  	s1 =	simm.s32 $0x9D00  }
0x1a0: {  	[tilespmem:s1], [sflag:$0x1] =	stream.indirect_vreg.gather [hbm4b:s3+s2], $0x80, v3, vm0, $0xb8;
	[tilespmem:$0x18100] =	vst v63  }
0x1a1: {  	s1 =	simm.s32 $0xA500  }
0x1a2: {  	[tilespmem:s1], [sflag:$0x1] =	stream.indirect_vreg.gather [hbm4b:s5+s2], $0x80, v3, vm1, $0xb8;
	[tilespmem:$0x18100] =	vst v63  }
0x1a3: {  	v3 =	vld [tilespmem:$0x70];
	_ =	sdelay $0x4  }
0x1a4: {  	v55 =	vshrl.u32 v3, $0x3  }
0x1a5: {  	v4 =	vmul.u32 $0x18, v55  }
0x1a6: {  	v3 =	vand.u32 $0x7, v3  }
0x1a7: {  	v3 =	vor.u32 v3, v4  }
0x1a8: {  	v4 =	vperm.xlane v3, v0;
	_ =	sdelay $0x1  }
0x1a9: {  	v4 =	vadd.s32 v1, v4;
	_ =	sdelay $0x1  }
0x1aa: {  	v3 =	vperm.xlane v3, v2;
	_ =	sdelay $0x1  }
0x1ab: {  	s1 =	simm.s32 $0xA900;
	v3 =	vadd.s32 v1, v3  }
0x1ac: {  	[tilespmem:s1], [sflag:$0x1] =	stream.indirect_vreg.gather [hbm4b:s3+s2], $0x80, v4, vm0, $0xb8;
	[tilespmem:$0x18100] =	vst v63  }
0x1ad: {  	s1 =	simm.s32 $0xB100  }
0x1ae: {  	[tilespmem:s1], [sflag:$0x1] =	stream.indirect_vreg.gather [hbm4b:s5+s2], $0x80, v4, vm1, $0xb8;
	[tilespmem:$0x18100] =	vst v63  }
0x1af: {  	s1 =	simm.s32 $0xB500  }
0x1b0: {  	[tilespmem:s1], [sflag:$0x1] =	stream.indirect_vreg.gather [hbm4b:s3+s2], $0x80, v3, vm0, $0xb8;
	[tilespmem:$0x18100] =	vst v63  }
0x1b1: {  	s1 =	simm.s32 $0xBD00  }
0x1b2: {  	[tilespmem:s1], [sflag:$0x1] =	stream.indirect_vreg.gather [hbm4b:s5+s2], $0x80, v3, vm1, $0xb8;
	[tilespmem:$0x18100] =	vst v63  }
0x1b3: {  	_ =	swait.ge [sflag:s28], $0xC000  }
0x1b4: {  	s31 =	rddreg [dreg:$0x2];
	[sflag:s28] =	ssyncset.done $0x0  }
0x1b5: {  	s1 =	simm.s32 $0xC100;
	[sflag:s28] =	ssyncadd.s32 $0xFFFF4000;
	s31 =	sadd.s32 s29, s31  }
0x1b6: {  	[hbm4b:s31+s2] =	stream.linear.scatter [tilespmem:s1], [sflag:$0x3], $0xC000, $0x38;
	[tilespmem:$0x18100] =	vst v63  }
0x1b7: {  	_ =	swait.ge [sflag:s11], $0xC000  }
0x1b8: {  	[sflag:s11] =	ssyncset.done $0x0  }
0x1b9: {  	s31 =	simm.s32 $0x80;
	[sflag:s11] =	ssyncadd.s32 $0xFFFF4000  }
0x1ba: {  	[tilespmem:s31], [sflag:$0x3] =	stream.linear.gather [hbm4b:s30+s2], $0x80, $0x38;
	[tilespmem:$0x18100] =	vst v63  }
0x1bb: {  	_ =	swait.ge [sflag:s11], $0x80  }
0x1bc: {  	[sflag:s11] =	ssyncset.done $0x0  }
0x1bd: {  	[sflag:s11] =	ssyncadd.s32 $0xFFFFFF80  }
0x1be: {  	v3 =	vld [tilespmem:$0x80];
	_ =	sdelay $0x4  }
0x1bf: {  	v56 =	vshrl.u32 v3, $0x3  }
0x1c0: {  	v4 =	vmul.u32 $0x18, v56  }
0x1c1: {  	v3 =	vand.u32 $0x7, v3  }
0x1c2: {  	v3 =	vor.u32 v3, v4  }
0x1c3: {  	v4 =	vperm.xlane v3, v0;
	_ =	sdelay $0x1  }
0x1c4: {  	v4 =	vadd.s32 v1, v4;
	_ =	sdelay $0x1  }
0x1c5: {  	v3 =	vperm.xlane v3, v2;
	_ =	sdelay $0x1  }
0x1c6: {  	v3 =	vadd.s32 v1, v3  }
0x1c7: {  	[tilespmem:s1], [sflag:$0x2] =	stream.indirect_vreg.gather [hbm4b:s3+s2], $0x80, v4, vm0, $0xb8;
	[tilespmem:$0x18100] =	vst v63  }
0x1c8: {  	s1 =	simm.s32 $0xC900  }
0x1c9: {  	[tilespmem:s1], [sflag:$0x2] =	stream.indirect_vreg.gather [hbm4b:s5+s2], $0x80, v4, vm1, $0xb8;
	[tilespmem:$0x18100] =	vst v63  }
0x1ca: {  	s1 =	simm.s32 $0xCD00  }
0x1cb: {  	[tilespmem:s1], [sflag:$0x2] =	stream.indirect_vreg.gather [hbm4b:s3+s2], $0x80, v3, vm0, $0xb8;
	[tilespmem:$0x18100] =	vst v63  }
0x1cc: {  	s1 =	simm.s32 $0xD500  }
0x1cd: {  	[tilespmem:s1], [sflag:$0x2] =	stream.indirect_vreg.gather [hbm4b:s5+s2], $0x80, v3, vm1, $0xb8;
	[tilespmem:$0x18100] =	vst v63  }
0x1ce: {  	v3 =	vld [tilespmem:$0x90];
	_ =	sdelay $0x4  }
0x1cf: {  	v57 =	vshrl.u32 v3, $0x3  }
0x1d0: {  	v4 =	vmul.u32 $0x18, v57  }
0x1d1: {  	v3 =	vand.u32 $0x7, v3  }
0x1d2: {  	v3 =	vor.u32 v3, v4  }
0x1d3: {  	v4 =	vperm.xlane v3, v0;
	_ =	sdelay $0x1  }
0x1d4: {  	v4 =	vadd.s32 v1, v4;
	_ =	sdelay $0x1  }
0x1d5: {  	v3 =	vperm.xlane v3, v2;
	_ =	sdelay $0x1  }
0x1d6: {  	s1 =	simm.s32 $0xD900;
	v3 =	vadd.s32 v1, v3  }
0x1d7: {  	[tilespmem:s1], [sflag:$0x2] =	stream.indirect_vreg.gather [hbm4b:s3+s2], $0x80, v4, vm0, $0xb8;
	[tilespmem:$0x18100] =	vst v63  }
0x1d8: {  	s1 =	simm.s32 $0xE100  }
0x1d9: {  	[tilespmem:s1], [sflag:$0x2] =	stream.indirect_vreg.gather [hbm4b:s5+s2], $0x80, v4, vm1, $0xb8;
	[tilespmem:$0x18100] =	vst v63  }
0x1da: {  	s1 =	simm.s32 $0xE500  }
0x1db: {  	[tilespmem:s1], [sflag:$0x2] =	stream.indirect_vreg.gather [hbm4b:s3+s2], $0x80, v3, vm0, $0xb8;
	[tilespmem:$0x18100] =	vst v63  }
0x1dc: {  	s1 =	simm.s32 $0xED00  }
0x1dd: {  	[tilespmem:s1], [sflag:$0x2] =	stream.indirect_vreg.gather [hbm4b:s5+s2], $0x80, v3, vm1, $0xb8;
	[tilespmem:$0x18100] =	vst v63  }
0x1de: {  	v3 =	vld [tilespmem:$0xA0];
	_ =	sdelay $0x4  }
0x1df: {  	v58 =	vshrl.u32 v3, $0x3  }
0x1e0: {  	v4 =	vmul.u32 $0x18, v58  }
0x1e1: {  	v3 =	vand.u32 $0x7, v3  }
0x1e2: {  	v3 =	vor.u32 v3, v4  }
0x1e3: {  	v4 =	vperm.xlane v3, v0;
	_ =	sdelay $0x1  }
0x1e4: {  	v4 =	vadd.s32 v1, v4;
	_ =	sdelay $0x1  }
0x1e5: {  	v3 =	vperm.xlane v3, v2;
	_ =	sdelay $0x1  }
0x1e6: {  	s1 =	simm.s32 $0xF100;
	v3 =	vadd.s32 v1, v3  }
0x1e7: {  	[tilespmem:s1], [sflag:$0x2] =	stream.indirect_vreg.gather [hbm4b:s3+s2], $0x80, v4, vm0, $0xb8;
	[tilespmem:$0x18100] =	vst v63  }
0x1e8: {  	s1 =	simm.s32 $0xF900  }
0x1e9: {  	[tilespmem:s1], [sflag:$0x2] =	stream.indirect_vreg.gather [hbm4b:s5+s2], $0x80, v4, vm1, $0xb8;
	[tilespmem:$0x18100] =	vst v63  }
0x1ea: {  	s1 =	simm.s32 $0xFD00  }
0x1eb: {  	[tilespmem:s1], [sflag:$0x2] =	stream.indirect_vreg.gather [hbm4b:s3+s2], $0x80, v3, vm0, $0xb8;
	[tilespmem:$0x18100] =	vst v63  }
0x1ec: {  	s1 =	simm.s32 $0x10500  }
0x1ed: {  	[tilespmem:s1], [sflag:$0x2] =	stream.indirect_vreg.gather [hbm4b:s5+s2], $0x80, v3, vm1, $0xb8;
	[tilespmem:$0x18100] =	vst v63  }
0x1ee: {  	v3 =	vld [tilespmem:$0xB0];
	_ =	sdelay $0x4  }
0x1ef: {  	v59 =	vshrl.u32 v3, $0x3  }
0x1f0: {  	v4 =	vmul.u32 $0x18, v59  }
0x1f1: {  	v3 =	vand.u32 $0x7, v3  }
0x1f2: {  	v3 =	vor.u32 v3, v4  }
0x1f3: {  	v4 =	vperm.xlane v3, v0;
	_ =	sdelay $0x1  }
0x1f4: {  	v4 =	vadd.s32 v1, v4;
	_ =	sdelay $0x1  }
0x1f5: {  	v3 =	vperm.xlane v3, v2;
	_ =	sdelay $0x1  }
0x1f6: {  	s1 =	simm.s32 $0x10900;
	v3 =	vadd.s32 v1, v3  }
0x1f7: {  	[tilespmem:s1], [sflag:$0x2] =	stream.indirect_vreg.gather [hbm4b:s3+s2], $0x80, v4, vm0, $0xb8;
	[tilespmem:$0x18100] =	vst v63  }
0x1f8: {  	s1 =	simm.s32 $0x11100  }
0x1f9: {  	[tilespmem:s1], [sflag:$0x2] =	stream.indirect_vreg.gather [hbm4b:s5+s2], $0x80, v4, vm1, $0xb8;
	[tilespmem:$0x18100] =	vst v63  }
0x1fa: {  	s1 =	simm.s32 $0x11500  }
0x1fb: {  	[tilespmem:s1], [sflag:$0x2] =	stream.indirect_vreg.gather [hbm4b:s3+s2], $0x80, v3, vm0, $0xb8;
	[tilespmem:$0x18100] =	vst v63  }
0x1fc: {  	s1 =	simm.s32 $0x11D00  }
0x1fd: {  	[tilespmem:s1], [sflag:$0x2] =	stream.indirect_vreg.gather [hbm4b:s5+s2], $0x80, v3, vm1, $0xb8;
	[tilespmem:$0x18100] =	vst v63  }
0x1fe: {  	v3 =	vld [tilespmem:$0xC0];
	_ =	sdelay $0x4  }
0x1ff: {  	v60 =	vshrl.u32 v3, $0x3  }
0x200: {  	v4 =	vmul.u32 $0x18, v60  }
0x201: {  	v3 =	vand.u32 $0x7, v3  }
0x202: {  	v3 =	vor.u32 v3, v4  }
0x203: {  	v4 =	vperm.xlane v3, v0;
	_ =	sdelay $0x1  }
0x204: {  	v4 =	vadd.s32 v1, v4;
	_ =	sdelay $0x1  }
0x205: {  	v3 =	vperm.xlane v3, v2;
	_ =	sdelay $0x1  }
0x206: {  	s1 =	simm.s32 $0x12100;
	v3 =	vadd.s32 v1, v3  }
0x207: {  	[tilespmem:s1], [sflag:$0x2] =	stream.indirect_vreg.gather [hbm4b:s3+s2], $0x80, v4, vm0, $0xb8;
	[tilespmem:$0x18100] =	vst v63  }
0x208: {  	s1 =	simm.s32 $0x12900  }
0x209: {  	[tilespmem:s1], [sflag:$0x2] =	stream.indirect_vreg.gather [hbm4b:s5+s2], $0x80, v4, vm1, $0xb8;
	[tilespmem:$0x18100] =	vst v63  }
0x20a: {  	s1 =	simm.s32 $0x12D00  }
0x20b: {  	[tilespmem:s1], [sflag:$0x2] =	stream.indirect_vreg.gather [hbm4b:s3+s2], $0x80, v3, vm0, $0xb8;
	[tilespmem:$0x18100] =	vst v63  }
0x20c: {  	s1 =	simm.s32 $0x13500  }
0x20d: {  	[tilespmem:s1], [sflag:$0x2] =	stream.indirect_vreg.gather [hbm4b:s5+s2], $0x80, v3, vm1, $0xb8;
	[tilespmem:$0x18100] =	vst v63  }
0x20e: {  	v3 =	vld [tilespmem:$0xD0];
	_ =	sdelay $0x4  }
0x20f: {  	v61 =	vshrl.u32 v3, $0x3  }
0x210: {  	v4 =	vmul.u32 $0x18, v61  }
0x211: {  	v3 =	vand.u32 $0x7, v3  }
0x212: {  	v3 =	vor.u32 v3, v4  }
0x213: {  	v4 =	vperm.xlane v3, v0;
	_ =	sdelay $0x1  }
0x214: {  	v4 =	vadd.s32 v1, v4;
	_ =	sdelay $0x1  }
0x215: {  	v3 =	vperm.xlane v3, v2;
	_ =	sdelay $0x1  }
0x216: {  	s1 =	simm.s32 $0x13900;
	v3 =	vadd.s32 v1, v3  }
0x217: {  	[tilespmem:s1], [sflag:$0x2] =	stream.indirect_vreg.gather [hbm4b:s3+s2], $0x80, v4, vm0, $0xb8;
	[tilespmem:$0x18100] =	vst v63  }
0x218: {  	s1 =	simm.s32 $0x14100  }
0x219: {  	[tilespmem:s1], [sflag:$0x2] =	stream.indirect_vreg.gather [hbm4b:s5+s2], $0x80, v4, vm1, $0xb8;
	[tilespmem:$0x18100] =	vst v63  }
0x21a: {  	s1 =	simm.s32 $0x14500  }
0x21b: {  	[tilespmem:s1], [sflag:$0x2] =	stream.indirect_vreg.gather [hbm4b:s3+s2], $0x80, v3, vm0, $0xb8;
	[tilespmem:$0x18100] =	vst v63  }
0x21c: {  	s1 =	simm.s32 $0x14D00  }
0x21d: {  	[tilespmem:s1], [sflag:$0x2] =	stream.indirect_vreg.gather [hbm4b:s5+s2], $0x80, v3, vm1, $0xb8;
	[tilespmem:$0x18100] =	vst v63  }
0x21e: {  	v3 =	vld [tilespmem:$0xE0];
	_ =	sdelay $0x4  }
0x21f: {  	v62 =	vshrl.u32 v3, $0x3  }
0x220: {  	v4 =	vmul.u32 $0x18, v62  }
0x221: {  	v3 =	vand.u32 $0x7, v3  }
0x222: {  	v3 =	vor.u32 v3, v4  }
0x223: {  	v4 =	vperm.xlane v3, v0;
	_ =	sdelay $0x1  }
0x224: {  	v4 =	vadd.s32 v1, v4;
	_ =	sdelay $0x1  }
0x225: {  	v3 =	vperm.xlane v3, v2;
	_ =	sdelay $0x1  }
0x226: {  	s1 =	simm.s32 $0x15100;
	v3 =	vadd.s32 v1, v3  }
0x227: {  	[tilespmem:s1], [sflag:$0x2] =	stream.indirect_vreg.gather [hbm4b:s3+s2], $0x80, v4, vm0, $0xb8;
	[tilespmem:$0x18100] =	vst v63  }
0x228: {  	s1 =	simm.s32 $0x15900  }
0x229: {  	[tilespmem:s1], [sflag:$0x2] =	stream.indirect_vreg.gather [hbm4b:s5+s2], $0x80, v4, vm1, $0xb8;
	[tilespmem:$0x18100] =	vst v63  }
0x22a: {  	s1 =	simm.s32 $0x15D00  }
0x22b: {  	[tilespmem:s1], [sflag:$0x2] =	stream.indirect_vreg.gather [hbm4b:s3+s2], $0x80, v3, vm0, $0xb8;
	[tilespmem:$0x18100] =	vst v63  }
0x22c: {  	s1 =	simm.s32 $0x16500  }
0x22d: {  	[tilespmem:s1], [sflag:$0x2] =	stream.indirect_vreg.gather [hbm4b:s5+s2], $0x80, v3, vm1, $0xb8;
	[tilespmem:$0x18100] =	vst v63  }
0x22e: {  	v3 =	vld [tilespmem:$0xF0];
	_ =	sdelay $0x4  }
0x22f: {  	v63 =	vshrl.u32 v3, $0x3  }
0x230: {  	v4 =	vmul.u32 $0x18, v63  }
0x231: {  	v3 =	vand.u32 $0x7, v3  }
0x232: {  	v3 =	vor.u32 v3, v4  }
0x233: {  	v4 =	vperm.xlane v3, v0;
	_ =	sdelay $0x1  }
0x234: {  	v4 =	vadd.s32 v1, v4;
	_ =	sdelay $0x2  }
0x235: {  	v3 =	vperm.xlane v3, v2;
	_ =	sdelay $0x1  }
0x236: {  	v3 =	vadd.s32 v1, v3;
	[tilespmem:s7], [sflag:$0x2] =	stream.indirect_vreg.gather [hbm4b:s3+s2], $0x80, v4, vm0, $0xb8;
	[tilespmem:$0x18100] =	vst v63  }
0x237: {  	p0 =	sne.s32 s29, $0x126000  }
0x238: {  	[tilespmem:s8], [sflag:$0x2] =	stream.indirect_vreg.gather [hbm4b:s5+s2], $0x80, v4, vm1, $0xb8;
	[tilespmem:$0x18100] =	vst v63  }
.Ltmp0:
0x239: {  	_ = 	snop;
	(pc) =	sbr.rel @p0 .LBB2_2-.Ltmp0, $4  }
0x23a: {  	s19 =	simm.s32 $0x100  }
0x23b: {  	[tilespmem:s4], [sflag:$0x2] =	stream.indirect_vreg.gather [hbm4b:s3+s2], $0x80, v3, vm0, $0xb8;
	[tilespmem:$0x18100] =	vst v63  }
0x23c: {  	s29 =	sadd.s32 $0x3000, s29;
	s31 =	simm.s32 $0xC100;
	s30 =	sadd.s32 $0x20, s30  }
0x23d: {  	[tilespmem:s9], [sflag:$0x2] =	stream.indirect_vreg.gather [hbm4b:s5+s2], $0x80, v3, vm1, $0xb8;
	[tilespmem:$0x18100] =	vst v63  }
0x23e: {  	_ =	swait.ge [sflag:s26], $0xC000  }
0x23f: {  	[sflag:s26] =	ssyncset.done $0x0  }
0x240: {  	s29 =	rddreg [dreg:$0x6];
	[sflag:s26] =	ssyncadd.s32 $0xFFFF4000  }
0x241: {  	[hbm4b:s29+s2] =	stream.linear.scatter [tilespmem:s19], [sflag:$0x3], $0xC000, $0x38;
	[tilespmem:$0x18100] =	vst v63  }
0x242: {  	_ =	swait.ge [sflag:s11], $0xC000  }
0x243: {  	[sflag:s11] =	ssyncset.done $0x0  }
0x244: {  	[sflag:s11] =	ssyncadd.s32 $0xFFFF4000  }
0x245: {  	s1 =	simm.s32 $0x900;
	_ =	swait.ge [sflag:s28], $0xC000  }
0x246: {  	s6 =	simm.s32 $0x1500;
	s7 =	simm.s32 $0x1900;
	[sflag:s28] =	ssyncset.done $0x0  }
0x247: {  	s8 =	simm.s32 $0x2100;
	s24 =	rddreg [dreg:$0x7];
	[sflag:s28] =	ssyncadd.s32 $0xFFFF4000  }
0x248: {  	[hbm4b:s24+s2] =	stream.linear.scatter [tilespmem:s31], [sflag:$0x3], $0xC000, $0x38;
	[tilespmem:$0x18100] =	vst v63  }
0x249: {  	s4 =	simm.s32 $0x2500;
	s9 =	simm.s32 $0x2D00;
	_ =	swait.ge [sflag:s11], $0xC000  }
0x24a: {  	s10 =	simm.s32 $0x3100;
	s13 =	simm.s32 $0x3900;
	s0 =	rddreg [dreg:$0xa]  }
0x24b: {  	s14 =	simm.s32 $0x3D00;
	s25 =	rddreg [dreg:$0x8];
	s0 =	sadd.s32 $0x1, s0  }
0x24c: {  	s15 =	simm.s32 $0x4500;
	s16 =	simm.s32 $0x4900;
	p0 =	sne.s32 s0, s25  }
.Ltmp1:
0x24d: {  	s17 =	simm.s32 $0x5100;
	s18 =	simm.s32 $0x5500;
	(pc) =	sbr.rel @p0 .LBB2_1-.Ltmp1, $4  }
0x24e: {  	s20 =	simm.s32 $0x5D00;
	s21 =	simm.s32 $0x6100;
	s22 =	simm.s32 $0x6900  }
0x24f: {  	s23 =	simm.s32 $0x6D00;
	s12 =	simm.s32 $0x8100;
	[sflag:s11] =	ssyncset.done $0x0  }
0x250: {  	s30 =	simm.s32 $0x8500;
	s24 =	simm.s32 $0x7500;
	[sflag:s11] =	ssyncadd.s32 $0xFFFF4000  }
0x251: {  	[dreg:$0xa] =	wrdreg s0;
	s0 =	simm.s32 $0xD00;
	s25 =	simm.s32 $0x7900  }
0x252: {  	_ =	sfence.sel $0x180000  }
0x253: {  	[bflag:$0x0] =	sbarrier.arrive $0xFFFF  }
0x254: {  	_ =	strace $0x90000047  }
0x255: {  	s0 =	stileid.u32;
	[bflag:$0x2] =	sbarrier.arrive $0xFFFF  }
0x256: {  	p0 =	sne.s32 s0, $0x0;
	s0 =	rddreg [dreg:$0x1]  }
0x257: {  	s0 =	sadd.s32 @!p0 $0x100000, s0  }
0x258: {  	[sflag:s0] =	ssyncadd.tile.s32 @!p0 $0x1;
	_ =	shalt  }
.Lfunc_end2:
_tile_overlayer_lowered:
.L_overlay_start_2:
0x259: {  	(tag) =	ssettag $0x2  }
0x25a: {  	s0 =	rddreg [dreg:$0x0];
	s2 =	stileid.u32  }
0x25b: {  	s1 =	rddreg [dreg:$0x1];
	p0 =	sne.s32 s2, $0x0  }
0x25c: {  	s3 =	rddreg [dreg:$0x2];
	[bflag:$0x3] =	sbarrier.arrive $0xFFFF;
	s2 =	simm.s32 @!p0 $0x1C03  }
0x25d: {  	[timem:s3], [sflag:s2] =	dma.local @!p0 [hbm:s0], s1  }
0x25e: {  	s0 =	simm.s32 @!p0 $0x3  }
0x25f: {  	_ =	swait.ge @!p0 [sflag:s0], s1  }
0x260: {  	s1 =	ssub.s32 @!p0 $0x0, s1;
	[sflag:s0] =	ssyncset.done @!p0 $0x0  }
0x261: {  	[sflag:s0] =	ssyncadd.s32 @!p0 s1  }
0x262: {  	[bflag:$0x3] =	sbarrier.arrive $0xFFFF  }
0x263: {  	_ =	shalt  }

// kernel: sparse-core-data-format-call.cloned.1.call-start
scs
called_computation_lowered:
.L_overlay_start_0:
0x0: {  	s2 =	sld [smem:$0x3FD9]  }
0x1: {  	s3 =	sld [smem:$0x3FFE];
	_ =	sdelay $0x1  }
0x2: {  	s1 =	srdreg.scid  }
0x3: {  	s0 =	sand.u32 $0x1, s1  }
0x4: {  	s18 =	sshll.u32 s0, $0xA;
	s2 =	sadd.s32 s3, s2  }
0x5: {  	s2 =	sadd.s32 s2, s18  }
0x6: {  	[smem:$0x3FC6] =	sst s2  }
0x7: {  	_ = 	snop  }
0x8: {  	s2 =	sld [smem:$0x3FD0];
	(tm) =	ssettm $0x1  }
0x9: {  	s19 =	sld [smem:$0x3FFB];
	_ =	sdelay $0x3  }
0xa: {  	_ =	strace s19  }
0xb: {  	s3 =	sld [smem:$0x3FFC];
	_ =	sdelay $0x3  }
0xc: {  	_ =	strace s3  }
0xd: {  	s3 =	sld [smem:$0x3FFD];
	_ =	sdelay $0x3  }
0xe: {  	_ =	strace s3  }
0xf: {  	_ =	strace $0x8FFFFFFF  }
0x10: {  	s20 =	sld [smem:$0x3FDB];
	_ =	sdelay $0x1  }
0x11: {  	s4 =	simm.s32 $_scs_section_size  }
0x12: {  	s5 =	simm.s32 $_size__tile_overlayer_lowered;
	s6 =	simm.s32 $_tile_overlayer_lowered  }
0x13: {  	s23 =	simm.s32 $0x1BFF;
	s22 =	sshll.u32 s6, $0x1;
	s3 =	sadd.s32 s4, s20  }
0x14: {  	s7 =	simm.s32 $0x0;
	s21 =	sshll.u32 s5, $0x1;
	s5 =	sadd.s32 s22, s3  }
0x15: {  	[timem:s7], [sflag:s23] =	dma.local [hbm:s5], s21  }
0x16: {  	_ =	swait.ge [sflag:s23], s21  }
0x17: {  	s4 =	ssub.s32 $0x0, s21;
	[sflag:s23] =	ssyncset.done $0x0  }
0x18: {  	[sflag:s23] =	ssyncadd.s32 s4;
	_ =	sdelay $0x1  }
0x19: {  	s24 =	simm.s32 $0x1B8B  }
0x1a: {  	_ =	swait.ge [sflag:s24], $0x1  }
0x1b: {  	[sflag:s24] =	ssyncset.done $0x0  }
0x1c: {  	s26 =	simm.s32 $0x1B8E;
	s25 =	sld [smem:$0x3FFE];
	[sflag:s24] =	ssyncadd.s32 $0xFFFFFFFF  }
0x1d: {  	s27 =	simm.s32 $execute0_lowered;
	[smem:$0x3FD2] =	sst s26  }
0x1e: {  	s5 =	sshll.u32 s27, $0x1;
	_ =	strace $0x80000049;
	[dreg:$0x1] =	wrdreg $0xFFFFFFFF  }
0x1f: {  	s28 =	simm.s32 $_size_execute0_lowered;
	s3 =	sadd.s32 s3, s5;
	[dreg:$0x0] =	wrdreg $0x0  }
0x20: {  	s5 =	sshll.u32 s28, $0x1;
	[dreg:$0x2] =	wrdreg s3  }
0x21: {  	[dreg:$0x3] =	wrdreg s5  }
0x22: {  	[dreg:$0x4] =	wrdreg $0xC0  }
0x23: {  	_ =	task [dreg:s7], $0x5FFFF  }
0x24: {  	[dreg:$0x1] =	wrdreg $0xFFFFFFFF  }
0x25: {  	[dreg:$0x0] =	wrdreg $0x60  }
0x26: {  	[dreg:$0x2] =	wrdreg s25  }
0x27: {  	[dreg:$0x3] =	wrdreg s2  }
0x28: {  	[dreg:$0x4] =	wrdreg $0x9  }
0x29: {  	_ =	task.clear_ibuf [dreg:s7], $0x5FFFF;
	_ =	strace $0x90000049  }
0x2a: {  	s29 =	simm.s32 $0x9;
	_ =	strace $0x8000004B  }
0x2b: {  	_ =	swait.ge [sflag:s29], $0x1  }
0x2c: {  	[sflag:s29] =	ssyncadd.s32 $0xFFFFFFFF  }
0x2d: {  	_ =	strace $0x9000004B  }
0x2e: {  	_ =	sfence  }
0x2f: {  	s30 =	sld [smem:$0x0];
	_ =	sdelay $0x2  }
0x30: {  	s31 =	sshll.u32 s1, $0xD;
	s1 =	sshrl.u32 s1, $0x2  }
0x31: {  	s3 =	sand.u32 $0x4000, s31;
	s1 =	sadd.s32 s1, s30  }
0x32: {  	s0 =	sor.u32 s3, s0;
	s1 =	sshll.u32 s1, $0x11  }
0x33: {  	s0 =	sor.u32 s1, s0  }
0x34: {  	s0 =	sadd.s32 $0x8F2B, s0  }
0x35: {  	[sflag:s0] =	ssyncadd.remote.s32 $0x1  }
0x36: {  	_ =	sfence.sel $0xFFFF  }
0x37: {  	[dreg:$0x0] =	wrdreg $0xFFFFFFFF;
	(pc) =	sbr.abs _section_cstart, $3  }
0x38: {  	[dreg:$0x1] =	wrdreg $0xFFFFFFFF  }
0x39: {  	_ =	task.clear_ibuf [dreg:s7], $0x2FFFF;
	_ =	strace $0x9FFFFFFF  }
0x3a: {  	(tm) =	ssettm $0x7FFFFFFF  }
0x3b: {  	_ =	shalt  }
tec
execute0_lowered:
.L_overlay_start_1:
0x0: {  	(tag) =	ssettag $0x1  }
0x1: {  	s0 =	srdreg.scid;
	s6 =	rddreg [dreg:$0x0]  }
0x2: {  	s3 =	rddreg [dreg:$0x1];
	s1 =	sshll.u32 s0, $0x4  }
0x3: {  	s5 =	simm.s32 $0x1;
	s0 =	stileid.u32;
	s1 =	sand.u32 $0x10, s1  }
0x4: {  	s31 =	simm.s32 $0x2;
	s18 =	simm.s32 $0x0;
	s1 =	sor.u32 s0, s1  }
0x5: {  	s8 =	simm.s32 $0xC8000;
	s17 =	simm.s32 $0x0;
	s2 =	sshll.u32 s1, $0x7  }
0x6: {  	s16 =	simm.s32 $0x0;
	s9 =	simm.s32 $0x0;
	s4 =	ssub.s32 $0x1000, s2  }
0x7: {  	s10 =	simm.s32 $0x0;
	s11 =	simm.s32 $0x0;
	s30 =	sand.u32 $0xF80, s4  }
0x8: {  	s12 =	simm.s32 $0x0;
	s13 =	simm.s32 $0x0;
	p0 =	sne.s32 s30, $0x0  }
.Ltmp0:
0x9: {  	s7 =	sshrl.u32 s4, $0xC;
	s5 =	simm.s32 @!p0 $0x0;
	(pc) =	sbr.rel .LBB1_1-.Ltmp0, $4  }
0xa: {  	s15 =	simm.s32 $0x0;
	s1 =	rddreg [dreg:$0x2];
	s5 =	sadd.s32 s5, s7  }
0xb: {  	_ =	strace $0x8000004A;
	s4 =	simm.s32 $0x1;
	s5 =	smul.u32 $0x258, s5  }
0xc: {  	s6 =	sadd.s32 $0x4AD800, s6;
	s14 =	smov.u32 s2;
	[sflag:s4] =	ssyncpa.u1 $0x0  }
0xd: {  	[sflag:s31] =	ssyncpa.u1 $0x0;
	p0 =	por $0x0, $0x0;
	s7 =	sor.u32 $0x1, s5  }
.LBB1_4:
0xe: {  	s23 =	sshra.s32 s23, $0x2;
	s24 =	sshll.u32 s10, $0xC  }
0xf: {  	p1 =	sgt.s32 s10, $0xC7;
	s26 =	smov.u32 s10;
	s27 =	sshra.s32 s10, $0x1F  }
0x10: {  	s28 =	smov.u32 s9;
	s29 =	sshra.s32 s11, $0x1F;
	s22 =	sadd.s32 s23, s22  }
0x11: {  	s30 =	sand.u32 $0xFFFF8000, s24;
	s24 =	sshll.u32 s11, $0x3;
	s26 =	simm.s32 @!p1 $0xC7  }
0x12: {  	p1 =	sgt.s32 s9, $0xAC;
	s27 =	sand.u32 s27, s10;
	s31 =	sand.u32 s29, s11  }
0x13: {  	s29 =	sshll.u32 s10, $0x7;
	s25 =	sand.u32 $0xFFFFFC00, s24;
	s28 =	simm.s32 @!p1 $0xAC  }
0x14: {  	p1 =	sgt.s32 s11, $0xF80;
	s23 =	sadd.s32 s25, s30;
	s25 =	ssub.s32 s26, s27  }
0x15: {  	[tilespmem:s21+$0x2040 ss:$0x81] =	vst.msk $0xffff, v4;
	s27 =	smov.u32 s11;
	s30 =	sshra.s32 s9, $0x1F;
	s26 =	sadd.s32 $0xFFFFFF39, s25  }
0x16: {  	v5 =	vld [tilespmem:s20+$0xFFFFFFD0];
	[tilespmem:s21+$0x2850 ss:$0x81] =	vst.msk $0xffff, v3;
	s27 =	simm.s32 @!p1 $0xF80;
	s23 =	sshrl.u32 s23, $0xC;
	s25 =	ssub.s32 $0xC8, s25  }
0x17: {  	v58 =	vld [tilespmem:s20+$0xFFFFFFE0];
	[tilespmem:s21+$0x3060 ss:$0x81] =	vst.msk $0xffff, v2;
	p1 =	sgt.s32 s26, $0x0;
	s26 =	ssub.s32 s27, s31;
	s27 =	sand.u32 s30, s9  }
0x18: {  	v59 =	vld [tilespmem:s20+$0xFFFFFFF0];
	[tilespmem:s21+$0x0 ss:$0x81] =	vst.msk $0xffff, v1;
	s21 =	smulhi.u32 $0x147AE15, s23;
	s30 =	sand.u32 $0x78, s11;
	s27 =	ssub.s32 s28, s27  }
0x19: {  	v60 =	vld [tilespmem:s20+$0x0];
	s25 =	simm.s32 @p1 $0x0;
	s31 =	sadd.s32 $0xFFFFF080, s26;
	s26 =	ssub.s32 $0x1000, s26  }
0x1a: {  	v61 =	vld [tilespmem:s20+$0x10];
	[tilespmem:s22+$0x3870 ss:$0x81] =	vst.msk $0xffff, v0;
	p1 =	sgt.s32 s31, $0x7F;
	s28 =	sadd.s32 $0xFFFFFF54, s27;
	s31 =	sand.u32 $0x380, s29  }
0x1b: {  	v62 =	vld [tilespmem:s20+$0x20];
	[tilespmem:s22+$0x810 ss:$0x81] =	vst.msk $0xffff, v5;
	s29 =	sand.u32 $0xC00, s24;
	s21 =	smul.u32 $0xC8, s21;
	s24 =	ssub.s32 $0x12C, s27  }
0x1c: {  	v63 =	vld [tilespmem:s20+$0xFFFFFFC0];
	[tilespmem:s22+$0x1020 ss:$0x81] =	vst.msk $0xffff, v58;
	s26 =	simm.s32 @p1 $0x0;
	s20 =	sor.u32 s30, s29;
	s30 =	smul.u32 $0x19000, s9  }
0x1d: {  	[tilespmem:s22+$0x1830 ss:$0x81] =	vst.msk $0xffff, v59;
	p1 =	sgt.s32 s28, $0x7F;
	s28 =	sand.u32 $0x7, s11;
	s25 =	smul.u32 s26, s25  }
0x1e: {  	[tilespmem:s22+$0x2040 ss:$0x81] =	vst.msk $0xffff, v60;
	s24 =	simm.s32 @p1 $0x0;
	s20 =	sor.u32 s31, s20;
	s21 =	ssub.s32 s23, s21  }
0x1f: {  	[tilespmem:s22+$0x2850 ss:$0x81] =	vst.msk $0xffff, v61;
	s20 =	sshrl.u32 s20, $0x3;
	s27 =	sadd.s32 s3, s30;
	s31 =	smul.u32 s24, s25  }
0x20: {  	[tilespmem:s22+$0x3060 ss:$0x81] =	vst.msk $0xffff, v62;
	s29 =	sshll.u32 s28, $0x12;
	s21 =	sshll.u32 s21, $0x9;
	s20 =	sadd.s32 s20, s27  }
0x21: {  	[tilespmem:s22+$0x0 ss:$0x81] =	vst.msk $0xffff, v63;
	s20 =	sadd.s32 s21, s20;
	s30 =	sand.u32 $0x3FFFFFFF, s31;
	s31 =	sor.u32 $0x80, s29  }
0x22: {  	[hbm4b:s20+s31] =	stream.strided.scatter [tilespmem:s19], [sflag:$0x2], s30, s8, s31, $0x20;
	[tilespmem:$0x10100] =	vst v63  }
.LBB1_5:
0x23: {  	p1 =	slt.u32 s15, $0x2  }
0x24: {  	p2 =	sgt.s32 @!p1 s18, $0xAC  }
0x25: {  	s19 =	smov.u32 s18;
	s20 =	sshra.s32 @!p1 s18, $0x1F;
	p2 =	por !p2, p1  }
0x26: {  	s18 =	sand.u32 @!p1 s20, s18;
	s19 =	simm.s32 @p2 $0xAC  }
0x27: {  	s20 =	sshra.s32 @!p1 s17, $0x1F;
	p2 =	sgt.s32 @!p1 s17, $0xC7;
	s18 =	ssub.s32 @!p1 s19, s18  }
0x28: {  	p2 =	por !p2, p1;
	s19 =	smov.u32 s17;
	s17 =	sand.u32 @!p1 s20, s17  }
0x29: {  	s20 =	sshra.s32 @!p1 s16, $0x1F;
	s19 =	simm.s32 @p2 $0xC7;
	p2 =	sgt.s32 @!p1 s16, $0xF80  }
0x2a: {  	s17 =	ssub.s32 @!p1 s19, s17;
	p2 =	por !p2, p1;
	s19 =	smov.u32 s16  }
0x2b: {  	s16 =	sand.u32 @!p1 s20, s16;
	s20 =	sadd.s32 @!p1 $0xFFFFFF39, s17;
	s19 =	simm.s32 @p2 $0xF80  }
0x2c: {  	p2 =	sgt.s32 @!p1 s20, $0x0;
	s16 =	ssub.s32 @!p1 s19, s16  }
0x2d: {  	s17 =	ssub.s32 @!p1 $0xC8, s17;
	p2 =	por !p2, p1;
	s19 =	sadd.s32 @!p1 $0xFFFFF080, s16  }
0x2e: {  	s17 =	simm.s32 @!p2 $0x0;
	p2 =	sgt.s32 @!p1 s19, $0x7F  }
0x2f: {  	s21 =	smov.u32 s14;
	s16 =	ssub.s32 @!p1 $0x1000, s16;
	p2 =	por !p2, p1  }
0x30: {  	s20 =	sadd.s32 @!p1 $0xFFFFFF54, s18;
	s19 =	sadd.s32 $0x80, s12;
	s16 =	simm.s32 @!p2 $0x0  }
0x31: {  	p2 =	sgt.s32 s19, $0x12B;
	s16 =	smul.u32 @!p1 s16, s17;
	s17 =	simm.s32 $0x1  }
0x32: {  	p0 =	por !p0, !p0;
	p3 =	sgt.s32 @!p1 s20, $0x7F;
	s17 =	simm.s32 @!p2 $0x0  }
0x33: {  	s18 =	ssub.s32 @!p1 $0x12C, s18;
	p3 =	por !p3, p1;
	s20 =	sadd.s32 s17, s13  }
0x34: {  	s18 =	simm.s32 @!p3 $0x0;
	s17 =	sadd.s32 $0x1000, s14;
	p3 =	sgt.s32 s20, $0xC7  }
0x35: {  	s22 =	simm.s32 @!p1 $0x2;
	s19 =	simm.s32 @p2 $0x0;
	s21 =	smov.u32 @p3 s17  }
0x36: {  	s16 =	smul.u32 @!p1 s18, s16;
	s18 =	smov.u32 s9;
	p2 =	sgt.s32 s21, $0xFFF  }
0x37: {  	s9 =	smov.u32 s12;
	s21 =	smov.u32 @p2 s2;
	p2 =	sne.s32 s15, s7  }
.Ltmp1:
0x38: {  	s12 =	smov.u32 s19;
	s16 =	sand.u32 @!p1 $0x3FFFFFFF, s16;
	(pc) =	sbr.rel @!p2 .LBB1_6-.Ltmp1, $4  }
0x39: {  	s20 =	simm.s32 @p3 $0x0;
	s17 =	smov.u32 s10;
	s10 =	smov.u32 s13  }
0x3a: {  	_ =	swait.ge @!p1 [sflag:s22], s16;
	s23 =	ssub.s32 @!p1 $0x0, s16;
	s16 =	smov.u32 s11  }
0x3b: {  	s11 =	smov.u32 s14;
	s13 =	smov.u32 s20;
	[sflag:s22] =	ssyncset.done @!p1 $0x0  }
0x3c: {  	s15 =	sadd.s32 $0x1, s15;
	[sflag:s22] =	ssyncadd.s32 @!p1 s23;
	s14 =	smov.u32 s21  }
.LBB1_1:
0x3d: {  	p1 =	sge.u32 s15, s5  }
0x3e: {  	s19 =	sshrl.u32 @!p1 s13, $0x3  }
0x3f: {  	s20 =	sshll.u32 @!p1 s12, $0x3;
	s19 =	smul.u32 @!p1 $0xC00, s19  }
0x40: {  	s21 =	sshll.u32 @!p1 s13, $0x7;
	s20 =	sand.u32 @!p1 $0xFFFFFC00, s20  }
0x41: {  	s19 =	sadd.s32 @!p1 s19, s20;
	s20 =	sand.u32 @!p1 $0x380, s21  }
0x42: {  	s19 =	sor.u32 @!p1 s20, s19  }
0x43: {  	s20 =	sand.u32 @!p1 $0x7F, s12;
	s21 =	smulhi.u32 @!p1 $0xAAAAAAAB, s19  }
0x44: {  	s19 =	sor.u32 @!p1 s20, s19  }
0x45: {  	s20 =	smulhi.u32 @!p1 $0xAAAAAAAB, s19;
	s21 =	sshrl.u32 @!p1 s21, $0x8  }
0x46: {  	s22 =	smulhi.u32 @!p1 $0x147AE15, s21;
	_ =	sdelay $0x1  }
0x47: {  	s20 =	sshrl.u32 @!p1 s20, $0x8;
	s22 =	smul.u32 @!p1 $0xC8, s22  }
0x48: {  	s31 =	sadd.s32 $0xFFFFFFFF, s15;
	s20 =	smul.u32 @!p1 $0x180, s20  }
0x49: {  	s23 =	sxor.u32 @!p1 $0xFFFFFFFF, s15;
	s21 =	ssub.s32 @!p1 s21, s22;
	s22 =	smul.u32 @!p1 $0x2580, s14  }
0x4a: {  	s23 =	sshll.u32 @!p1 s23, $0xE;
	s19 =	ssub.s32 @!p1 s19, s20;
	s20 =	smul.u32 @!p1 $0x30, s21  }
0x4b: {  	s21 =	sand.u32 @!p1 $0x4000, s23;
	s23 =	sand.u32 @!p1 $0x7, s19;
	s22 =	sadd.s32 @!p1 s6, s22  }
0x4c: {  	s19 =	sshrl.u32 @!p1 s19, $0x3;
	s20 =	sadd.s32 @!p1 s20, s22;
	s22 =	sshll.u32 @!p1 s23, $0x12  }
0x4d: {  	s19 =	sadd.s32 @!p1 s19, s20;
	s20 =	sor.u32 @!p1 $0x80, s22;
	s22 =	simm.s32 @!p1 $0x12C00  }
0x4e: {  	[tilespmem:s21], [sflag:$0x1] =	stream.strided.gather @!p1 [hbm4b:s19+s20], $0x4000, s22, s20, $0x38;
	[tilespmem:$0x10100] =	vst v63  }
0x4f: {  	p1 =	sge.u32 s31, s5  }
.Ltmp2:
0x50: {  	_ = 	snop;
	(pc) =	sbr.rel @p1 .LBB1_5-.Ltmp2, $1  }
0x51: {  	_ =	sdelay $0x3  }
0x52: {  	s19 =	simm.s32 $0x1  }
0x53: {  	_ =	swait.ge [sflag:s4], $0x4000;
	s19 =	simm.s32 @!p0 $0x0  }
0x54: {  	[sflag:s4] =	ssyncset.done $0x0;
	s20 =	sshll.u32 s19, $0xE  }
0x55: {  	[sflag:s4] =	ssyncadd.s32 $0xFFFFC000;
	s20 =	sor.u32 $0x40, s20  }
0x56: {  	s19 =	smul.u32 $0x10200, s19;
	v0 =	vld [tilespmem:s20+$0x30]  }
0x57: {  	v1 =	vld [tilespmem:s20+$0xFFFFFFD0]  }
0x58: {  	s19 =	sshrl.u32 s19, $0x2;
	v5 =	vld [tilespmem:s20+$0xFFFFFFE0]  }
0x59: {  	v6 =	vld [tilespmem:s20+$0xFFFFFFF0];
	s22 =	sor.u32 $0x8000, s19  }
0x5a: {  	s31 =	sand.u32 $0x1, s15;
	v4 =	vld [tilespmem:s20+$0x0];
	s21 =	sadd.s32 $0x0, s22  }
0x5b: {  	v3 =	vld [tilespmem:s20+$0x10];
	s19 =	smul.u32 $0x10200, s31;
	[tilespmem:s21+$0x3870 ss:$0x81] =	vst.msk $0xffff, v0  }
0x5c: {  	v2 =	vld [tilespmem:s20+$0x20];
	[tilespmem:s21+$0x810 ss:$0x81] =	vst.msk $0xffff, v1  }
0x5d: {  	s19 =	sshrl.u32 s19, $0x2;
	v1 =	vld [tilespmem:s20+$0xFFFFFFC0];
	[tilespmem:s21+$0x1020 ss:$0x81] =	vst.msk $0xffff, v5;
	s20 =	sadd.s32 $0x80, s20  }
0x5e: {  	s23 =	simm.s32 $0x4;
	s24 =	simm.s32 $0x8;
	s19 =	sor.u32 $0x8000, s19;
	[tilespmem:s21+$0x1830 ss:$0x81] =	vst.msk $0xffff, v6;
	v0 =	vld [tilespmem:s20+$0x30]  }
.LBB1_3:
0x5f: {  	p1 =	sne.s32 s24, $0x1FC;
	v5 =	vld [tilespmem:s20+$0xFFFFFFD0];
	[tilespmem:s21+$0x2040 ss:$0x81] =	vst.msk $0xffff, v4  }
0x60: {  	v6 =	vld [tilespmem:s20+$0xFFFFFFE0];
	[tilespmem:s21+$0x2850 ss:$0x81] =	vst.msk $0xffff, v3  }
0x61: {  	s25 =	sshra.s32 s23, $0x2;
	s23 =	smov.u32 s24;
	v7 =	vld [tilespmem:s20+$0xFFFFFFF0];
	[tilespmem:s21+$0x3060 ss:$0x81] =	vst.msk $0xffff, v2  }
.Ltmp3:
0x62: {  	v4 =	vld [tilespmem:s20+$0x0];
	[tilespmem:s21+$0x0 ss:$0x81] =	vst.msk $0xffff, v1;
	s21 =	sadd.s32 s25, s22;
	(pc) =	sbr.rel @p1 .LBB1_3-.Ltmp3, $4  }
0x63: {  	v3 =	vld [tilespmem:s20+$0x10];
	[tilespmem:s21+$0x3870 ss:$0x81] =	vst.msk $0xffff, v0  }
0x64: {  	[tilespmem:s21+$0x810 ss:$0x81] =	vst.msk $0xffff, v5;
	v2 =	vld [tilespmem:s20+$0x20]  }
0x65: {  	v1 =	vld [tilespmem:s20+$0xFFFFFFC0];
	[tilespmem:s21+$0x1020 ss:$0x81] =	vst.msk $0xffff, v6;
	s20 =	sadd.s32 $0x80, s20  }
0x66: {  	s24 =	sadd.s32 $0x4, s24;
	v0 =	vld [tilespmem:s20+$0x30];
	[tilespmem:s21+$0x1830 ss:$0x81] =	vst.msk $0xffff, v7  }
.Ltmp4:
0x67: {  	_ = 	snop;
	(pc) =	sbr.rel .LBB1_4-.Ltmp4, $1  }
0x68: {  	_ =	sdelay $0x3  }
.LBB1_6:
0x69: {  	_ =	sfence.sel $0x180000  }
0x6a: {  	s2 =	simm.s32 $0x1;
	[bflag:$0x0] =	sbarrier.arrive $0xFFFF  }
0x6b: {  	s31 =	simm.s32 $0x2;
	[sflag:s2] =	ssyncpa.u1 $0x1  }
0x6c: {  	[sflag:s31] =	ssyncpa.u1 $0x1  }
0x6d: {  	p0 =	sne.s32 s0, $0x0;
	_ =	strace $0x9000004A  }
0x6e: {  	s0 =	sadd.s32 @!p0 $0x100000, s1;
	[bflag:$0x2] =	sbarrier.arrive $0xFFFF  }
0x6f: {  	[sflag:s0] =	ssyncadd.tile.s32 @!p0 $0x1;
	_ =	shalt  }
.Lfunc_end1:
_tile_overlayer_lowered:
.L_overlay_start_2:
0x70: {  	(tag) =	ssettag $0x2  }
0x71: {  	s0 =	rddreg [dreg:$0x0];
	s2 =	stileid.u32  }
0x72: {  	s1 =	rddreg [dreg:$0x1];
	p0 =	sne.s32 s2, $0x0  }
0x73: {  	s3 =	rddreg [dreg:$0x2];
	[bflag:$0x3] =	sbarrier.arrive $0xFFFF;
	s2 =	simm.s32 @!p0 $0x1C01  }
0x74: {  	[timem:s3], [sflag:s2] =	dma.local @!p0 [hbm:s0], s1  }
0x75: {  	s0 =	simm.s32 @!p0 $0x1  }
0x76: {  	_ =	swait.ge @!p0 [sflag:s0], s1  }
0x77: {  	s1 =	ssub.s32 @!p0 $0x0, s1;
	[sflag:s0] =	ssyncset.done @!p0 $0x0  }
0x78: {  	[sflag:s0] =	ssyncadd.s32 @!p0 s1  }
0x79: {  	[bflag:$0x3] =	sbarrier.arrive $0xFFFF  }
0x7a: {  	_ =	shalt  }

</sc_bundles>
